<compile_context>
chip_gen: v7x
topology: tpu7x:2x2x1
jax: 0.10.2.dev20260603
libtpu: 0.0.44.dev20260713+nightly
codegen_flags: <defaults>
</compile_context>

<pallas_src>
import functools

import jax
import jax.numpy as jnp
import numpy as np
from jax.experimental import pallas as pl
from jax.experimental.pallas import tpu as pltpu
from jax.experimental.pallas import tpu_sc as plsc

S = 64
D = 704
D_W = 512
D_C = 128
D_P = 64
H = 1024
L = 256
NEG = -1e30


def _body(w_ref, craw_ref, p_ref, w1_ref, b1_ref, w2_ref, b2_ref, wt0_ref,
          bt0_ref, out_ref):
    rowQ = jax.lax.broadcasted_iota(jnp.int32, (S, 16 * S), 0)
    colQ = jax.lax.broadcasted_iota(jnp.int32, (S, 16 * S), 1)
    Gm = (jax.lax.shift_right_logical(colQ, 4) == rowQ).astype(jnp.float32)
    c = jnp.dot(Gm, craw_ref[:], preferred_element_type=jnp.float32) * (1.0 / 16.0)
    h = jnp.concatenate([w_ref[:], c, p_ref[:, 0:D_P]], axis=1)
    A = jnp.dot(h, w1_ref[0:D, :], preferred_element_type=jnp.float32)
    Bm = jnp.dot(h, w1_ref[D:2 * D, :], preferred_element_type=jnp.float32)
    Hc = jnp.dot(h, w1_ref[2 * D:3 * D, :], preferred_element_type=jnp.float32)
    rowB = jax.lax.broadcasted_iota(jnp.int32, (2 * S, S), 0)
    colB = jax.lax.broadcasted_iota(jnp.int32, (2 * S, S), 1)
    ltri = (colB < rowB).astype(jnp.float32)
    Cc = jnp.dot(ltri, Hc, preferred_element_type=jnp.float32)
    Ci = Cc[0:S, :]
    A2 = jnp.concatenate([A, A], axis=0)
    Ci2 = jnp.concatenate([Ci, Ci], axis=0)

    b1v = b1_ref[:]
    b2v = b2_ref[:]
    wt0 = wt0_ref[:]
    w2 = w2_ref[:]
    rows64 = jax.lax.broadcasted_iota(jnp.int32, (S, 1), 0)
    rows128 = jax.lax.broadcasted_iota(jnp.int32, (2 * S, 1), 0)
    col0 = (jax.lax.broadcasted_iota(jnp.int32, (1, L), 1) == 0)
    lane64 = jax.lax.broadcasted_iota(jnp.int32, (S, 2 * S), 1)
    lane128 = jax.lax.broadcasted_iota(jnp.int32, (2 * S, 2 * S), 1)
    rowC = jax.lax.broadcasted_iota(jnp.int32, (2 * S, 2 * S), 0)
    colC = lane128
    rmodB = jnp.bitwise_and(rowB, S - 1)
    rmodC = jnp.bitwise_and(rowC, S - 1)
    halfB = (rowB >= S).astype(jnp.int32)
    halfC = (rowC >= S).astype(jnp.int32)

    def pair_step(p, carry):
        gold_acc, tag_acc, SC = carry
        ln1 = p + 2
        lnB = ln1 + 31 * halfB
        PB = (colB == rmodB + lnB - 1).astype(jnp.float32)
        lnC = ln1 + 31 * halfC
        PC = (colC == rmodC + lnC).astype(jnp.float32)
        Bsh = jnp.dot(PB, Bm, preferred_element_type=jnp.float32)
        Cj = jnp.dot(PC, Cc, preferred_element_type=jnp.float32)
        ln1f = ln1.astype(jnp.float32)
        inv2 = jnp.where(rows128 < S, 1.0 / ln1f, 1.0 / (ln1f + 31.0))
        hid = jnp.maximum(A2 + Bsh + (Cj - Ci2) * inv2 + b1v, 0.0)
        feats = jnp.dot(hid, w2, preferred_element_type=jnp.float32) + b2v
        rowm = jnp.logical_or(rows128 == S - ln1, rows128 == 97 - ln1)
        gmask = jnp.logical_and(rowm, col0)
        feats = feats - gmask.astype(jnp.float32)
        gold_acc = gold_acc + jnp.sum(jnp.where(gmask, feats, 0.0))
        scores = jnp.max(feats, axis=1, keepdims=True)
        SC = jnp.where(lane64 == ln1, scores[0:S], SC)
        SC = jnp.where(lane64 == ln1 + 31, scores[S:2 * S], SC)
        tagv = jnp.dot(hid, wt0, preferred_element_type=jnp.float32)
        tag_acc = tag_acc + jnp.sum(jnp.where(rowm, tagv, 0.0))
        return gold_acc, tag_acc, SC

    gold_acc, tag_acc, SC = jax.lax.fori_loop(
        0, 31, pair_step,
        (jnp.float32(0.0), jnp.float32(0.0), jnp.zeros((S, 2 * S), jnp.float32)))

    Bsh64 = pltpu.roll(Bm, 1, axis=0)
    hid64 = jnp.maximum(A + Bsh64 + (Cc[S:2 * S] - Ci) * (1.0 / S) + b1v, 0.0)
    feats64 = jnp.dot(hid64, w2, preferred_element_type=jnp.float32) + b2v
    gmask64 = jnp.logical_and(rows64 == 0, col0)
    feats64 = feats64 - gmask64.astype(jnp.float32)
    gold_acc = gold_acc + jnp.sum(jnp.where(gmask64, feats64, 0.0))
    scores64 = jnp.max(feats64, axis=1, keepdims=True)
    SC = jnp.where(lane64 == S, scores64, SC)
    tagv64 = jnp.dot(hid64, wt0, preferred_element_type=jnp.float32)
    tag_acc = tag_acc + jnp.sum(jnp.where(rows64 == 0, tagv64, 0.0))

    Linit = jnp.zeros((S, 2 * S), jnp.float32)
    Rinit = jnp.where(lane128 == S - 1, 0.0,
                      jnp.full((2 * S, 2 * S), NEG, jnp.float32))

    def cyk_step(ln, carry):
        Lc, Rc = carry
        Rr = pltpu.roll(Rc, 2 * S - ln, axis=0)
        Rrr = pltpu.roll(Rr, S + ln, axis=1)
        win = Lc[:, 0:S] + Rrr[0:S, 0:S]
        split = jnp.max(win, axis=1, keepdims=True)
        valsc = jnp.sum(jnp.where(lane64 == ln, SC, 0.0), axis=1, keepdims=True)
        val = valsc + split
        Lc = jnp.where(lane64 == ln, val, Lc)
        valp = jnp.concatenate([val, jnp.zeros((S, 1), jnp.float32)], axis=0)
        valr = pltpu.roll(valp, ln, axis=0)
        Rc = jnp.where(lane128 == S - ln, valr, Rc)
        return Lc, Rc

    Lfin, _ = jax.lax.fori_loop(2, S + 1, cyk_step, (Linit, Rinit))

    rows64b = jax.lax.broadcasted_iota(jnp.int32, (S, 2 * S), 0)
    pred = jnp.sum(jnp.where(jnp.logical_and(rows64b == 0, lane64 == S),
                             Lfin, 0.0))
    loss_global = jnp.maximum(pred - gold_acc, 0.0) / (S - 1.0)
    nll_tag = -(tag_acc / (S - 1.0) + bt0_ref[0, 0])
    out_ref[:] = jnp.full((1, 1), nll_tag + loss_global, jnp.float32)


def kernel(word_seq_, char_seq_, pos_seq_, sample_ix, word_table, char_table,
           pos_table, W1, b1, W2, b2, Wt, bt):
    mesh = plsc.VectorSubcoreMesh(core_axis_name="c", subcore_axis_name="s")
    info = plsc.get_sparse_core_info()
    NC, NS = info.num_cores, info.num_subcores

    @functools.partial(
        pl.kernel, mesh=mesh,
        out_type=(
            jax.ShapeDtypeStruct((S, D_W), jnp.float32),
            jax.ShapeDtypeStruct((16 * S, D_C), jnp.float32),
            jax.ShapeDtypeStruct((S, 2 * D_P), jnp.float32),
        ),
        scratch_types=[
            pltpu.VMEM((8,), jnp.int32),
            pltpu.VMEM((8, D_W), jnp.float32),
            pltpu.VMEM((64,), jnp.int32),
            pltpu.VMEM((64, D_C), jnp.float32),
            pltpu.VMEM((8,), jnp.int32),
            pltpu.VMEM((8, 2 * D_P), jnp.float32),
            pltpu.SemaphoreType.DMA,
        ],
    )
    def gather_sc(wseq_hbm, cseq_hbm, pseq_hbm, wtab_hbm, ctab_hbm, ptab_hbm,
                  wout_hbm, cout_hbm, pout_hbm,
                  widx_v, wrow_v, cidx_v, crow_v, pidx_v, prow_v, sem):
        wid = jax.lax.axis_index("s") * NC + jax.lax.axis_index("c")

        @pl.when(wid < 8)
        def _():
            base = wid * 8
            pltpu.sync_copy(wseq_hbm.at[pl.ds(base, 8)], widx_v)
            pltpu.async_copy(wtab_hbm.at[widx_v], wrow_v, sem).wait()
            pltpu.sync_copy(wrow_v, wout_hbm.at[pl.ds(base, 8)])

        @pl.when(jnp.logical_and(wid >= 8, wid < 24))
        def _():
            base = (wid - 8) * 64
            pltpu.sync_copy(cseq_hbm.at[pl.ds(base, 64)], cidx_v)
            pltpu.async_copy(ctab_hbm.at[cidx_v], crow_v, sem).wait()
            pltpu.sync_copy(crow_v, cout_hbm.at[pl.ds(base, 64)])

        @pl.when(wid >= 24)
        def _():
            base = (wid - 24) * 8
            pltpu.sync_copy(pseq_hbm.at[pl.ds(base, 8)], pidx_v)
            pltpu.async_copy(ptab_hbm.at[pidx_v], prow_v, sem).wait()
            pltpu.sync_copy(prow_v, pout_hbm.at[pl.ds(base, 8)])

    w, craw, p = gather_sc(word_seq_.astype(jnp.int32),
                           char_seq_.reshape(16 * S).astype(jnp.int32),
                           pos_seq_.astype(jnp.int32),
                           word_table, char_table,
                           jnp.pad(pos_table, ((0, 0), (0, D_P))))

    out = pl.pallas_call(
        _body,
        out_shape=jax.ShapeDtypeStruct((1, 1), jnp.float32),
    )(w, craw, p, W1, b1.reshape(1, H), W2, b2.reshape(1, L), Wt[:, 0:1],
      bt[0].reshape(1, 1))
    return out[0, 0]

# --- scband reference (transcript-rebuilt; emitter-appended) ---
"""Pipeline reference for scband-my-algorithm-71837622992940 (READ-ONLY COPY).

The authoritative reference and input builder live on the scoring server;
editing this copy changes nothing except your own understanding.
"""

import jax, jax.numpy as jnp
import numpy as np

S = 64
VOCAB_W, D_W = 30000, 512
VOCAB_C, D_C = 100, 128
VOCAB_P, D_P = 50, 64
D = D_W + D_C + D_P
H = 1024
L = 256
LT = 64


def _span_arrays(s):
    i_list, j_list = [], []
    for ln in range(2, s + 1):
        for i in range(0, s - ln + 1):
            i_list.append(i)
            j_list.append(i + ln)
    return np.asarray(i_list, dtype=np.int64), np.asarray(j_list, dtype=np.int64)


def setup_inputs(seed: int = 0) -> dict:
    key = jax.random.key(seed)
    ks = jax.random.split(key, 12)
    word_seq_ = jax.random.randint(ks[0], (S,), 0, VOCAB_W)
    char_seq_ = jax.random.randint(ks[1], (S, 16), 0, VOCAB_C)
    pos_seq_ = jax.random.randint(ks[2], (S,), 0, VOCAB_P)
    word_table = jax.random.normal(ks[3], (VOCAB_W, D_W), jnp.float32) * 0.02
    char_table = jax.random.normal(ks[4], (VOCAB_C, D_C), jnp.float32) * 0.02
    pos_table = jax.random.normal(ks[5], (VOCAB_P, D_P), jnp.float32) * 0.02
    W1 = jax.random.normal(ks[6], (3 * D, H), jnp.float32) * 0.02
    b1 = jnp.zeros((H,), jnp.float32)
    W2 = jax.random.normal(ks[7], (H, L), jnp.float32) * 0.02
    b2 = jnp.zeros((L,), jnp.float32)
    Wt = jax.random.normal(ks[8], (H, LT), jnp.float32) * 0.02
    bt = jnp.zeros((LT,), jnp.float32)
    return {"word_seq_": word_seq_, "char_seq_": char_seq_, "pos_seq_": pos_seq_, "sample_ix": 0,
            "word_table": word_table, "char_table": char_table, "pos_table": pos_table,
            "W1": W1, "b1": b1, "W2": W2, "b2": b2, "Wt": Wt, "bt": bt}


def reference(word_seq_, char_seq_, pos_seq_, sample_ix, word_table, char_table, pos_table, W1, b1, W2, b2, Wt, bt):
    i_arr, j_arr = _span_arrays(S)
    n_spans = i_arr.shape[0]
    # token features (word + mean-pooled char + pos embeddings) -> MyFeat encoder states
    w = word_table[word_seq_]
    c = jnp.mean(char_table[char_seq_], axis=1)
    p = pos_table[pos_seq_]
    h = jnp.concatenate([w, c, p], axis=-1)  # [S, D]
    cs = jnp.concatenate([jnp.zeros((1, D), h.dtype), jnp.cumsum(h, axis=0)], axis=0)
    # span representations for every span of length >= 2 (candidates)
    rep = jnp.concatenate([h[i_arr], h[j_arr - 1], (cs[j_arr] - cs[i_arr]) / jnp.asarray(j_arr - i_arr, h.dtype)[:, None]], axis=-1)
    hid = jax.nn.relu(rep @ W1 + b1)
    feats = hid @ W2 + b2  # [n_spans, L] = get_span_features_1
    # gold (right-branching) spans (i, S), gold label 0 ; cost-augment: subtract 1 at gold label
    span_ix_mat = -np.ones((S + 1, S + 1), dtype=np.int64)
    span_ix_mat[i_arr, j_arr] = np.arange(n_spans)
    gold_ix = jnp.asarray(span_ix_mat[np.arange(0, S - 1), S])
    feats = feats.at[gold_ix, 0].add(-1.0)
    gold_score = jnp.sum(feats[gold_ix, 0])
    scores = jnp.max(feats, axis=1)  # max over labels
    span_score_mat = jnp.zeros((S + 1, S + 1), feats.dtype).at[jnp.asarray(i_arr), jnp.asarray(j_arr)].set(scores)
    # CYK dynamic program (length-1 spans score 0, matching the zeros concat)
    best = jnp.zeros((S + 1, S + 1), feats.dtype)
    for ln in range(2, S + 1):
        i = np.arange(0, S - ln + 1)
        k = np.arange(1, ln)
        lft = best[i[:, None], i[:, None] + k[None, :]]
        rgt = best[i[:, None] + k[None, :], (i + ln)[:, None]]
        split_best = jnp.max(lft + rgt, axis=1)
        best = best.at[jnp.asarray(i), jnp.asarray(i + ln)].set(span_score_mat[i, i + ln] + split_best)
    pred_score = best[0, S]
    loss_global = jax.nn.relu(pred_score - gold_score) / (S - 1.0)
    # tag head: masked-select gold tag scores -> -mean (nll_tag)
    tag_feats = hid[gold_ix] @ Wt + bt
    nll_tag = -jnp.mean(tag_feats[:, 0])
    return nll_tag + loss_global

if __name__ == "__main__":
    import jax
    _d = setup_inputs()
    print(jax.jit(kernel)(*tuple(_d.values())))

</pallas_src>

<mosaic_0001>
#map = affine_map<(d0, d1) -> (0)>
#map1 = affine_map<(d0, d1) -> (0, 0)>
module attributes {stable_mosaic.version = 14 : i64} {
  func.func @gather_sc(%arg0: i32, %arg1: i32, %arg2: memref<64xi32, #tpu.memory_space<hbm>>, %arg3: memref<1024xi32, #tpu.memory_space<hbm>>, %arg4: memref<64xi32, #tpu.memory_space<hbm>>, %arg5: memref<30000x512xf32, #tpu.memory_space<hbm>>, %arg6: memref<100x128xf32, #tpu.memory_space<hbm>>, %arg7: memref<50x128xf32, #tpu.memory_space<hbm>>, %arg8: memref<64x512xf32, #tpu.memory_space<hbm>>, %arg9: memref<1024x128xf32, #tpu.memory_space<hbm>>, %arg10: memref<64x128xf32, #tpu.memory_space<hbm>>, %arg11: memref<8xi32, #tpu.memory_space<vmem>>, %arg12: memref<8x512xf32, #tpu.memory_space<vmem>>, %arg13: memref<64xi32, #tpu.memory_space<vmem>>, %arg14: memref<64x128xf32, #tpu.memory_space<vmem>>, %arg15: memref<8xi32, #tpu.memory_space<vmem>>, %arg16: memref<8x128xf32, #tpu.memory_space<vmem>>, %arg17: memref<!tpu.dma_semaphore, #tpu.memory_space<semaphore_mem>>) attributes {dimension_semantics = [#tpu.dimension_semantics<core_parallel>, #tpu.dimension_semantics<subcore_parallel>], iteration_bounds = array<i64: 2, 16>, scalar_prefetch = 0 : i64, scratch_operands = 7 : i64, tpu.core_type = #tpu.core_type<sc_vector_subcore>, window_params = [{transform_indices = #map}, {transform_indices = #map}, {transform_indices = #map}, {transform_indices = #map1}, {transform_indices = #map1}, {transform_indices = #map1}, {transform_indices = #map1}, {transform_indices = #map1}, {transform_indices = #map1}]} {
    %mul3A = arith.constant 2 : i32
    %mul3A_0 = arith.muli %arg1, %mul3A : i32
    %add3A = arith.addi %mul3A_0, %arg0 : i32
    %lt3A = arith.constant 8 : i32
    %lt3A_1 = arith.cmpi slt, %add3A, %lt3A : i32
    %convert_element_type3A = arith.extui %lt3A_1 : i1 to i32
    %cond3A = arith.constant 0 : i32
    %cond3A_2 = arith.cmpi ne, %convert_element_type3A, %cond3A : i32
    scf.if %cond3A_2 {
      %mul3A_14 = arith.constant 8 : i32
      %mul3A_15 = arith.muli %add3A, %mul3A_14 : i32
      "tpu.region"() ({
        %run_scoped3A = tpu.sem_alloc : memref<!tpu.dma_semaphore, #tpu.memory_space<semaphore_mem>>
        %dma_start3A_20 = tpu.memref_slice %arg2[%mul3A_15] : memref<64xi32, #tpu.memory_space<hbm>> -> memref<8xi32, #tpu.memory_space<hbm>>
        %dma_start3A_21 = tpu.memref_slice %arg2[%mul3A_15] : memref<64xi32, #tpu.memory_space<hbm>> -> memref<8xi32, #tpu.memory_space<hbm>>
        tpu.enqueue_dma source(%dma_start3A_21 : memref<8xi32, #tpu.memory_space<hbm>>) target(%arg11 : memref<8xi32, #tpu.memory_space<vmem>>) target_semaphore(%run_scoped3A : memref<!tpu.dma_semaphore, #tpu.memory_space<semaphore_mem>>)
        %dma_wait3A_22 = tpu.memref_slice %arg2[%mul3A_15] : memref<64xi32, #tpu.memory_space<hbm>> -> memref<8xi32, #tpu.memory_space<hbm>>
        %dma_wait3A_23 = tpu.memref_slice %arg2[%mul3A_15] : memref<64xi32, #tpu.memory_space<hbm>> -> memref<8xi32, #tpu.memory_space<hbm>>
        tpu.wait_dma2 semaphore(%run_scoped3A : memref<!tpu.dma_semaphore, #tpu.memory_space<semaphore_mem>>) src(%dma_wait3A_23 : memref<8xi32, #tpu.memory_space<hbm>>) dst(%arg11 : memref<8xi32, #tpu.memory_space<vmem>>)
        tpu.yield
      }) : () -> ()
      %dma_start3A = arith.constant 0 : i32
      %dma_start3A_16 = arith.constant 0 : i32
      %dma_start3A_17 = tpu.memref_slice %arg5[%dma_start3A, %dma_start3A_16] : memref<30000x512xf32, #tpu.memory_space<hbm>> -> memref<30000x512xf32, #tpu.memory_space<hbm>>
      tpu.enqueue_indirect_dma source(%dma_start3A_17 : memref<30000x512xf32, #tpu.memory_space<hbm>>) target(%arg12 : memref<8x512xf32, #tpu.memory_space<vmem>>) offsets(%arg11 : memref<8xi32, #tpu.memory_space<vmem>>) semaphore(%arg17 : memref<!tpu.dma_semaphore, #tpu.memory_space<semaphore_mem>>)
      %dma_wait3A = arith.constant 0 : i32
      %dma_wait3A_18 = arith.constant 0 : i32
      %dma_wait3A_19 = tpu.memref_slice %arg5[%dma_wait3A, %dma_wait3A_18] : memref<30000x512xf32, #tpu.memory_space<hbm>> -> memref<30000x512xf32, #tpu.memory_space<hbm>>
      tpu.wait_indirect_dma semaphore(%arg17 : memref<!tpu.dma_semaphore, #tpu.memory_space<semaphore_mem>>) src(%dma_wait3A_19 : memref<30000x512xf32, #tpu.memory_space<hbm>>) dst(%arg12 : memref<8x512xf32, #tpu.memory_space<vmem>>)
      "tpu.region"() ({
        %run_scoped3A = tpu.sem_alloc : memref<!tpu.dma_semaphore, #tpu.memory_space<semaphore_mem>>
        %dma_start3A_20 = arith.constant 0 : i32
        %dma_start3A_21 = tpu.memref_slice %arg8[%mul3A_15, %dma_start3A_20] : memref<64x512xf32, #tpu.memory_space<hbm>> -> memref<8x512xf32, #tpu.memory_space<hbm>>
        %dma_start3A_22 = arith.constant 0 : i32
        %dma_start3A_23 = tpu.memref_slice %arg8[%mul3A_15, %dma_start3A_22] : memref<64x512xf32, #tpu.memory_space<hbm>> -> memref<8x512xf32, #tpu.memory_space<hbm>>
        tpu.enqueue_dma source(%arg12 : memref<8x512xf32, #tpu.memory_space<vmem>>) target(%dma_start3A_23 : memref<8x512xf32, #tpu.memory_space<hbm>>) target_semaphore(%run_scoped3A : memref<!tpu.dma_semaphore, #tpu.memory_space<semaphore_mem>>)
        %dma_wait3A_24 = arith.constant 0 : i32
        %dma_wait3A_25 = tpu.memref_slice %arg8[%mul3A_15, %dma_wait3A_24] : memref<64x512xf32, #tpu.memory_space<hbm>> -> memref<8x512xf32, #tpu.memory_space<hbm>>
        %dma_wait3A_26 = arith.constant 0 : i32
        %dma_wait3A_27 = tpu.memref_slice %arg8[%mul3A_15, %dma_wait3A_26] : memref<64x512xf32, #tpu.memory_space<hbm>> -> memref<8x512xf32, #tpu.memory_space<hbm>>
        tpu.wait_dma2 semaphore(%run_scoped3A : memref<!tpu.dma_semaphore, #tpu.memory_space<semaphore_mem>>) src(%arg12 : memref<8x512xf32, #tpu.memory_space<vmem>>) dst(%dma_wait3A_27 : memref<8x512xf32, #tpu.memory_space<hbm>>)
        tpu.yield
      }) : () -> ()
    } else {
    }
    %ge3A = arith.constant 8 : i32
    %ge3A_3 = arith.cmpi sge, %add3A, %ge3A : i32
    %lt3A_4 = arith.constant 24 : i32
    %lt3A_5 = arith.cmpi slt, %add3A, %lt3A_4 : i32
    %and3A = arith.andi %ge3A_3, %lt3A_5 : i1
    %convert_element_type3A_6 = arith.extui %and3A : i1 to i32
    %cond3A_7 = arith.constant 0 : i32
    %cond3A_8 = arith.cmpi ne, %convert_element_type3A_6, %cond3A_7 : i32
    scf.if %cond3A_8 {
      %sub3A = arith.constant 8 : i32
      %sub3A_14 = arith.subi %add3A, %sub3A : i32
      %mul3A_15 = arith.constant 64 : i32
      %mul3A_16 = arith.muli %sub3A_14, %mul3A_15 : i32
      "tpu.region"() ({
        %run_scoped3A = tpu.sem_alloc : memref<!tpu.dma_semaphore, #tpu.memory_space<semaphore_mem>>
        %dma_start3A_21 = tpu.memref_slice %arg3[%mul3A_16] : memref<1024xi32, #tpu.memory_space<hbm>> -> memref<64xi32, #tpu.memory_space<hbm>>
        %dma_start3A_22 = tpu.memref_slice %arg3[%mul3A_16] : memref<1024xi32, #tpu.memory_space<hbm>> -> memref<64xi32, #tpu.memory_space<hbm>>
        tpu.enqueue_dma source(%dma_start3A_22 : memref<64xi32, #tpu.memory_space<hbm>>) target(%arg13 : memref<64xi32, #tpu.memory_space<vmem>>) target_semaphore(%run_scoped3A : memref<!tpu.dma_semaphore, #tpu.memory_space<semaphore_mem>>)
        %dma_wait3A_23 = tpu.memref_slice %arg3[%mul3A_16] : memref<1024xi32, #tpu.memory_space<hbm>> -> memref<64xi32, #tpu.memory_space<hbm>>
        %dma_wait3A_24 = tpu.memref_slice %arg3[%mul3A_16] : memref<1024xi32, #tpu.memory_space<hbm>> -> memref<64xi32, #tpu.memory_space<hbm>>
        tpu.wait_dma2 semaphore(%run_scoped3A : memref<!tpu.dma_semaphore, #tpu.memory_space<semaphore_mem>>) src(%dma_wait3A_24 : memref<64xi32, #tpu.memory_space<hbm>>) dst(%arg13 : memref<64xi32, #tpu.memory_space<vmem>>)
        tpu.yield
      }) : () -> ()
      %dma_start3A = arith.constant 0 : i32
      %dma_start3A_17 = arith.constant 0 : i32
      %dma_start3A_18 = tpu.memref_slice %arg6[%dma_start3A, %dma_start3A_17] : memref<100x128xf32, #tpu.memory_space<hbm>> -> memref<100x128xf32, #tpu.memory_space<hbm>>
      tpu.enqueue_indirect_dma source(%dma_start3A_18 : memref<100x128xf32, #tpu.memory_space<hbm>>) target(%arg14 : memref<64x128xf32, #tpu.memory_space<vmem>>) offsets(%arg13 : memref<64xi32, #tpu.memory_space<vmem>>) semaphore(%arg17 : memref<!tpu.dma_semaphore, #tpu.memory_space<semaphore_mem>>)
      %dma_wait3A = arith.constant 0 : i32
      %dma_wait3A_19 = arith.constant 0 : i32
      %dma_wait3A_20 = tpu.memref_slice %arg6[%dma_wait3A, %dma_wait3A_19] : memref<100x128xf32, #tpu.memory_space<hbm>> -> memref<100x128xf32, #tpu.memory_space<hbm>>
      tpu.wait_indirect_dma semaphore(%arg17 : memref<!tpu.dma_semaphore, #tpu.memory_space<semaphore_mem>>) src(%dma_wait3A_20 : memref<100x128xf32, #tpu.memory_space<hbm>>) dst(%arg14 : memref<64x128xf32, #tpu.memory_space<vmem>>)
      "tpu.region"() ({
        %run_scoped3A = tpu.sem_alloc : memref<!tpu.dma_semaphore, #tpu.memory_space<semaphore_mem>>
        %dma_start3A_21 = arith.constant 0 : i32
        %dma_start3A_22 = tpu.memref_slice %arg9[%mul3A_16, %dma_start3A_21] : memref<1024x128xf32, #tpu.memory_space<hbm>> -> memref<64x128xf32, #tpu.memory_space<hbm>>
        %dma_start3A_23 = arith.constant 0 : i32
        %dma_start3A_24 = tpu.memref_slice %arg9[%mul3A_16, %dma_start3A_23] : memref<1024x128xf32, #tpu.memory_space<hbm>> -> memref<64x128xf32, #tpu.memory_space<hbm>>
        tpu.enqueue_dma source(%arg14 : memref<64x128xf32, #tpu.memory_space<vmem>>) target(%dma_start3A_24 : memref<64x128xf32, #tpu.memory_space<hbm>>) target_semaphore(%run_scoped3A : memref<!tpu.dma_semaphore, #tpu.memory_space<semaphore_mem>>)
        %dma_wait3A_25 = arith.constant 0 : i32
        %dma_wait3A_26 = tpu.memref_slice %arg9[%mul3A_16, %dma_wait3A_25] : memref<1024x128xf32, #tpu.memory_space<hbm>> -> memref<64x128xf32, #tpu.memory_space<hbm>>
        %dma_wait3A_27 = arith.constant 0 : i32
        %dma_wait3A_28 = tpu.memref_slice %arg9[%mul3A_16, %dma_wait3A_27] : memref<1024x128xf32, #tpu.memory_space<hbm>> -> memref<64x128xf32, #tpu.memory_space<hbm>>
        tpu.wait_dma2 semaphore(%run_scoped3A : memref<!tpu.dma_semaphore, #tpu.memory_space<semaphore_mem>>) src(%arg14 : memref<64x128xf32, #tpu.memory_space<vmem>>) dst(%dma_wait3A_28 : memref<64x128xf32, #tpu.memory_space<hbm>>)
        tpu.yield
      }) : () -> ()
    } else {
    }
    %ge3A_9 = arith.constant 24 : i32
    %ge3A_10 = arith.cmpi sge, %add3A, %ge3A_9 : i32
    %convert_element_type3A_11 = arith.extui %ge3A_10 : i1 to i32
    %cond3A_12 = arith.constant 0 : i32
    %cond3A_13 = arith.cmpi ne, %convert_element_type3A_11, %cond3A_12 : i32
    scf.if %cond3A_13 {
      %sub3A = arith.constant 24 : i32
      %sub3A_14 = arith.subi %add3A, %sub3A : i32
      %mul3A_15 = arith.constant 8 : i32
      %mul3A_16 = arith.muli %sub3A_14, %mul3A_15 : i32
      "tpu.region"() ({
        %run_scoped3A = tpu.sem_alloc : memref<!tpu.dma_semaphore, #tpu.memory_space<semaphore_mem>>
        %dma_start3A_21 = tpu.memref_slice %arg4[%mul3A_16] : memref<64xi32, #tpu.memory_space<hbm>> -> memref<8xi32, #tpu.memory_space<hbm>>
        %dma_start3A_22 = tpu.memref_slice %arg4[%mul3A_16] : memref<64xi32, #tpu.memory_space<hbm>> -> memref<8xi32, #tpu.memory_space<hbm>>
        tpu.enqueue_dma source(%dma_start3A_22 : memref<8xi32, #tpu.memory_space<hbm>>) target(%arg15 : memref<8xi32, #tpu.memory_space<vmem>>) target_semaphore(%run_scoped3A : memref<!tpu.dma_semaphore, #tpu.memory_space<semaphore_mem>>)
        %dma_wait3A_23 = tpu.memref_slice %arg4[%mul3A_16] : memref<64xi32, #tpu.memory_space<hbm>> -> memref<8xi32, #tpu.memory_space<hbm>>
        %dma_wait3A_24 = tpu.memref_slice %arg4[%mul3A_16] : memref<64xi32, #tpu.memory_space<hbm>> -> memref<8xi32, #tpu.memory_space<hbm>>
        tpu.wait_dma2 semaphore(%run_scoped3A : memref<!tpu.dma_semaphore, #tpu.memory_space<semaphore_mem>>) src(%dma_wait3A_24 : memref<8xi32, #tpu.memory_space<hbm>>) dst(%arg15 : memref<8xi32, #tpu.memory_space<vmem>>)
        tpu.yield
      }) : () -> ()
      %dma_start3A = arith.constant 0 : i32
      %dma_start3A_17 = arith.constant 0 : i32
      %dma_start3A_18 = tpu.memref_slice %arg7[%dma_start3A, %dma_start3A_17] : memref<50x128xf32, #tpu.memory_space<hbm>> -> memref<50x128xf32, #tpu.memory_space<hbm>>
      tpu.enqueue_indirect_dma source(%dma_start3A_18 : memref<50x128xf32, #tpu.memory_space<hbm>>) target(%arg16 : memref<8x128xf32, #tpu.memory_space<vmem>>) offsets(%arg15 : memref<8xi32, #tpu.memory_space<vmem>>) semaphore(%arg17 : memref<!tpu.dma_semaphore, #tpu.memory_space<semaphore_mem>>)
      %dma_wait3A = arith.constant 0 : i32
      %dma_wait3A_19 = arith.constant 0 : i32
      %dma_wait3A_20 = tpu.memref_slice %arg7[%dma_wait3A, %dma_wait3A_19] : memref<50x128xf32, #tpu.memory_space<hbm>> -> memref<50x128xf32, #tpu.memory_space<hbm>>
      tpu.wait_indirect_dma semaphore(%arg17 : memref<!tpu.dma_semaphore, #tpu.memory_space<semaphore_mem>>) src(%dma_wait3A_20 : memref<50x128xf32, #tpu.memory_space<hbm>>) dst(%arg16 : memref<8x128xf32, #tpu.memory_space<vmem>>)
      "tpu.region"() ({
        %run_scoped3A = tpu.sem_alloc : memref<!tpu.dma_semaphore, #tpu.memory_space<semaphore_mem>>
        %dma_start3A_21 = arith.constant 0 : i32
        %dma_start3A_22 = tpu.memref_slice %arg10[%mul3A_16, %dma_start3A_21] : memref<64x128xf32, #tpu.memory_space<hbm>> -> memref<8x128xf32, #tpu.memory_space<hbm>>
        %dma_start3A_23 = arith.constant 0 : i32
        %dma_start3A_24 = tpu.memref_slice %arg10[%mul3A_16, %dma_start3A_23] : memref<64x128xf32, #tpu.memory_space<hbm>> -> memref<8x128xf32, #tpu.memory_space<hbm>>
        tpu.enqueue_dma source(%arg16 : memref<8x128xf32, #tpu.memory_space<vmem>>) target(%dma_start3A_24 : memref<8x128xf32, #tpu.memory_space<hbm>>) target_semaphore(%run_scoped3A : memref<!tpu.dma_semaphore, #tpu.memory_space<semaphore_mem>>)
        %dma_wait3A_25 = arith.constant 0 : i32
        %dma_wait3A_26 = tpu.memref_slice %arg10[%mul3A_16, %dma_wait3A_25] : memref<64x128xf32, #tpu.memory_space<hbm>> -> memref<8x128xf32, #tpu.memory_space<hbm>>
        %dma_wait3A_27 = arith.constant 0 : i32
        %dma_wait3A_28 = tpu.memref_slice %arg10[%mul3A_16, %dma_wait3A_27] : memref<64x128xf32, #tpu.memory_space<hbm>> -> memref<8x128xf32, #tpu.memory_space<hbm>>
        tpu.wait_dma2 semaphore(%run_scoped3A : memref<!tpu.dma_semaphore, #tpu.memory_space<semaphore_mem>>) src(%arg16 : memref<8x128xf32, #tpu.memory_space<vmem>>) dst(%dma_wait3A_28 : memref<8x128xf32, #tpu.memory_space<hbm>>)
        tpu.yield
      }) : () -> ()
    } else {
    }
    return
  }
}

module attributes {stable_mosaic.version = 14 : i64} {
  func.func @_body(%arg0: memref<64x512xf32, #tpu.memory_space<vmem>>, %arg1: memref<1024x128xf32, #tpu.memory_space<vmem>>, %arg2: memref<64x128xf32, #tpu.memory_space<vmem>>, %arg3: memref<2112x1024xf32, #tpu.memory_space<vmem>>, %arg4: memref<1x1024xf32, #tpu.memory_space<vmem>>, %arg5: memref<1024x256xf32, #tpu.memory_space<vmem>>, %arg6: memref<1x256xf32, #tpu.memory_space<vmem>>, %arg7: memref<1024x1xf32, #tpu.memory_space<vmem>>, %arg8: memref<1x1xf32, #tpu.memory_space<vmem>>, %arg9: memref<1x1xf32, #tpu.memory_space<vmem>>) attributes {dimension_semantics = [], scalar_prefetch = 0 : i64, scratch_operands = 0 : i64, tpu.core_type = #tpu.core_type<tc>} {
    %iota3A = tpu.iota {dimensions = array<i32: 0>} : vector<64x1024xi32>
    %iota3A_0 = tpu.iota {dimensions = array<i32: 1>} : vector<64x1024xi32>
    %shift_right_logical3A = arith.constant 4 : i32
    %shift_right_logical3A_1 = vector.broadcast %shift_right_logical3A : i32 to vector<64x1024xi32>
    %shift_right_logical3A_2 = arith.shrui %iota3A_0, %shift_right_logical3A_1 : vector<64x1024xi32>
    %eq3A = arith.cmpi eq, %shift_right_logical3A_2, %iota3A : vector<64x1024xi32>
    %convert_element_type3A = arith.extui %eq3A : vector<64x1024xi1> to vector<64x1024xi32>
    %convert_element_type3A_3 = arith.sitofp %convert_element_type3A : vector<64x1024xi32> to vector<64x1024xf32>
    %get3A = arith.constant 0 : index
    %get3A_4 = arith.constant 0 : index
    %get3A_5 = vector.load %arg1[%get3A, %get3A_4] : memref<1024x128xf32, #tpu.memory_space<vmem>>, vector<1024x128xf32>
    %dot_general3A = arith.constant dense<0.000000e+00> : vector<64x128xf32>
    %dot_general3A_6 = tpu.matmul %convert_element_type3A_3, %get3A_5, %dot_general3A {dimension_numbers = #tpu.dot_dimension_numbers<[1], [0], [0], [1], [0, 0, 1, 1], [], []>, transpose_lhs_hint = false} : vector<64x1024xf32>, vector<1024x128xf32>, vector<64x128xf32> -> vector<64x128xf32>
    %mul3A = arith.constant 6.250000e-02 : f32
    %mul3A_7 = vector.broadcast %mul3A : f32 to vector<64x128xf32>
    %mul3A_8 = arith.mulf %dot_general3A_6, %mul3A_7 : vector<64x128xf32>
    %get3A_9 = arith.constant 0 : index
    %get3A_10 = arith.constant 0 : index
    %get3A_11 = vector.load %arg0[%get3A_9, %get3A_10] : memref<64x512xf32, #tpu.memory_space<vmem>>, vector<64x512xf32>
    %get3A_12 = arith.constant 0 : index
    %get3A_13 = arith.constant 0 : index
    %get3A_14 = vector.load %arg2[%get3A_12, %get3A_13] : memref<64x128xf32, #tpu.memory_space<vmem>>, vector<64x64xf32>
    %concatenate3A = tpu.concatenate %get3A_11, %mul3A_8, %get3A_14 in 1 : vector<64x512xf32>, vector<64x128xf32>, vector<64x64xf32> -> vector<64x704xf32>
    %get3A_15 = arith.constant 0 : index
    %get3A_16 = arith.constant 0 : index
    %get3A_17 = vector.load %arg3[%get3A_15, %get3A_16] : memref<2112x1024xf32, #tpu.memory_space<vmem>>, vector<704x1024xf32>
    %dot_general3A_18 = arith.constant dense<0.000000e+00> : vector<64x1024xf32>
    %dot_general3A_19 = tpu.matmul %concatenate3A, %get3A_17, %dot_general3A_18 {dimension_numbers = #tpu.dot_dimension_numbers<[1], [0], [0], [1], [0, 0, 1, 1], [], []>, transpose_lhs_hint = false} : vector<64x704xf32>, vector<704x1024xf32>, vector<64x1024xf32> -> vector<64x1024xf32>
    %get3A_20 = arith.constant 704 : index
    %get3A_21 = arith.constant 0 : index
    %get3A_22 = vector.load %arg3[%get3A_20, %get3A_21] : memref<2112x1024xf32, #tpu.memory_space<vmem>>, vector<704x1024xf32>
    %dot_general3A_23 = arith.constant dense<0.000000e+00> : vector<64x1024xf32>
    %dot_general3A_24 = tpu.matmul %concatenate3A, %get3A_22, %dot_general3A_23 {dimension_numbers = #tpu.dot_dimension_numbers<[1], [0], [0], [1], [0, 0, 1, 1], [], []>, transpose_lhs_hint = false} : vector<64x704xf32>, vector<704x1024xf32>, vector<64x1024xf32> -> vector<64x1024xf32>
    %get3A_25 = arith.constant 1408 : index
    %get3A_26 = arith.constant 0 : index
    %get3A_27 = vector.load %arg3[%get3A_25, %get3A_26] : memref<2112x1024xf32, #tpu.memory_space<vmem>>, vector<704x1024xf32>
    %dot_general3A_28 = arith.constant dense<0.000000e+00> : vector<64x1024xf32>
    %dot_general3A_29 = tpu.matmul %concatenate3A, %get3A_27, %dot_general3A_28 {dimension_numbers = #tpu.dot_dimension_numbers<[1], [0], [0], [1], [0, 0, 1, 1], [], []>, transpose_lhs_hint = false} : vector<64x704xf32>, vector<704x1024xf32>, vector<64x1024xf32> -> vector<64x1024xf32>
    %iota3A_30 = tpu.iota {dimensions = array<i32: 0>} : vector<128x64xi32>
    %iota3A_31 = tpu.iota {dimensions = array<i32: 1>} : vector<128x64xi32>
    %lt3A = arith.cmpi slt, %iota3A_31, %iota3A_30 : vector<128x64xi32>
    %convert_element_type3A_32 = arith.extui %lt3A : vector<128x64xi1> to vector<128x64xi32>
    %convert_element_type3A_33 = arith.sitofp %convert_element_type3A_32 : vector<128x64xi32> to vector<128x64xf32>
    %dot_general3A_34 = arith.constant dense<0.000000e+00> : vector<128x1024xf32>
    %dot_general3A_35 = tpu.matmul %convert_element_type3A_33, %dot_general3A_29, %dot_general3A_34 {dimension_numbers = #tpu.dot_dimension_numbers<[1], [0], [0], [1], [0, 0, 1, 1], [], []>, transpose_lhs_hint = false} : vector<128x64xf32>, vector<64x1024xf32>, vector<128x1024xf32> -> vector<128x1024xf32>
    %slice3A = vector.extract_strided_slice %dot_general3A_35 {offsets = [0, 0], sizes = [64, 1024], strides = [1, 1]} : vector<128x1024xf32> to vector<64x1024xf32>
    %concatenate3A_36 = tpu.concatenate %dot_general3A_19, %dot_general3A_19 in 0 : vector<64x1024xf32>, vector<64x1024xf32> -> vector<128x1024xf32>
    %concatenate3A_37 = tpu.concatenate %slice3A, %slice3A in 0 : vector<64x1024xf32>, vector<64x1024xf32> -> vector<128x1024xf32>
    %get3A_38 = arith.constant 0 : index
    %get3A_39 = arith.constant 0 : index
    %get3A_40 = vector.load %arg4[%get3A_38, %get3A_39] : memref<1x1024xf32, #tpu.memory_space<vmem>>, vector<1x1024xf32>
    %get3A_41 = arith.constant 0 : index
    %get3A_42 = arith.constant 0 : index
    %get3A_43 = vector.load %arg6[%get3A_41, %get3A_42] : memref<1x256xf32, #tpu.memory_space<vmem>>, vector<1x256xf32>
    %get3A_44 = arith.constant 0 : index
    %get3A_45 = arith.constant 0 : index
    %get3A_46 = vector.load %arg7[%get3A_44, %get3A_45] : memref<1024x1xf32, #tpu.memory_space<vmem>>, vector<1024x1xf32>
    %get3A_47 = arith.constant 0 : index
    %get3A_48 = arith.constant 0 : index
    %get3A_49 = vector.load %arg5[%get3A_47, %get3A_48] : memref<1024x256xf32, #tpu.memory_space<vmem>>, vector<1024x256xf32>
    %iota3A_50 = tpu.iota {dimensions = array<i32: 0>} : vector<64x1xi32>
    %iota3A_51 = tpu.iota {dimensions = array<i32: 0>} : vector<128x1xi32>
    %iota3A_52 = tpu.iota {dimensions = array<i32: 1>} : vector<1x256xi32>
    %eq3A_53 = arith.constant 0 : i32
    %eq3A_54 = vector.broadcast %eq3A_53 : i32 to vector<1x256xi32>
    %eq3A_55 = arith.cmpi eq, %iota3A_52, %eq3A_54 : vector<1x256xi32>
    %iota3A_56 = tpu.iota {dimensions = array<i32: 1>} : vector<64x128xi32>
    %iota3A_57 = tpu.iota {dimensions = array<i32: 1>} : vector<128x128xi32>
    %iota3A_58 = tpu.iota {dimensions = array<i32: 0>} : vector<128x128xi32>
    %and3A = arith.constant 63 : i32
    %and3A_59 = vector.broadcast %and3A : i32 to vector<128x64xi32>
    %and3A_60 = arith.andi %iota3A_30, %and3A_59 : vector<128x64xi32>
    %and3A_61 = arith.constant 63 : i32
    %and3A_62 = vector.broadcast %and3A_61 : i32 to vector<128x128xi32>
    %and3A_63 = arith.andi %iota3A_58, %and3A_62 : vector<128x128xi32>
    %ge3A = arith.constant 64 : i32
    %ge3A_64 = vector.broadcast %ge3A : i32 to vector<128x64xi32>
    %ge3A_65 = arith.cmpi sge, %iota3A_30, %ge3A_64 : vector<128x64xi32>
    %convert_element_type3A_66 = arith.extui %ge3A_65 : vector<128x64xi1> to vector<128x64xi32>
    %ge3A_67 = arith.constant 64 : i32
    %ge3A_68 = vector.broadcast %ge3A_67 : i32 to vector<128x128xi32>
    %ge3A_69 = arith.cmpi sge, %iota3A_58, %ge3A_68 : vector<128x128xi32>
    %convert_element_type3A_70 = arith.extui %ge3A_69 : vector<128x128xi1> to vector<128x128xi32>
    %broadcast_in_dim3A = arith.constant 0.000000e+00 : f32
    %broadcast_in_dim3A_71 = vector.broadcast %broadcast_in_dim3A : f32 to vector<64x128xf32>
    %scan3A = arith.constant 0.000000e+00 : f32
    %scan3A_72 = arith.constant 0.000000e+00 : f32
    %scan3A_73 = arith.constant 0 : i32
    %scan3A_74 = arith.constant 31 : i32
    %scan3A_75 = arith.addi %scan3A_73, %scan3A_74 : i32
    %scan3A_76 = arith.constant 1 : i32
    %scan3A_77:3 = scf.for %scan3A_178 = %scan3A_73 to %scan3A_75 step %scan3A_76 iter_args(%scan3A_179 = %scan3A, %scan3A_180 = %scan3A_72, %scan3A_181 = %broadcast_in_dim3A_71) -> (f32, f32, vector<64x128xf32>)  : i32 {
      %add3A_182 = arith.constant 2 : i32
      %add3A_183 = arith.addi %scan3A_178, %add3A_182 : i32
      %mul3A_184 = arith.constant 31 : i32
      %mul3A_185 = vector.broadcast %mul3A_184 : i32 to vector<128x64xi32>
      %mul3A_186 = arith.muli %mul3A_185, %convert_element_type3A_66 : vector<128x64xi32>
      %add3A_187 = vector.broadcast %add3A_183 : i32 to vector<128x64xi32>
      %add3A_188 = arith.addi %add3A_187, %mul3A_186 : vector<128x64xi32>
      %add3A_189 = arith.addi %and3A_60, %add3A_188 : vector<128x64xi32>
      %sub3A_190 = arith.constant 1 : i32
      %sub3A_191 = vector.broadcast %sub3A_190 : i32 to vector<128x64xi32>
      %sub3A_192 = arith.subi %add3A_189, %sub3A_191 : vector<128x64xi32>
      %eq3A_193 = arith.cmpi eq, %iota3A_31, %sub3A_192 : vector<128x64xi32>
      %convert_element_type3A_194 = arith.extui %eq3A_193 : vector<128x64xi1> to vector<128x64xi32>
      %convert_element_type3A_195 = arith.sitofp %convert_element_type3A_194 : vector<128x64xi32> to vector<128x64xf32>
      %mul3A_196 = arith.constant 31 : i32
      %mul3A_197 = vector.broadcast %mul3A_196 : i32 to vector<128x128xi32>
      %mul3A_198 = arith.muli %mul3A_197, %convert_element_type3A_70 : vector<128x128xi32>
      %add3A_199 = vector.broadcast %add3A_183 : i32 to vector<128x128xi32>
      %add3A_200 = arith.addi %add3A_199, %mul3A_198 : vector<128x128xi32>
      %add3A_201 = arith.addi %and3A_63, %add3A_200 : vector<128x128xi32>
      %eq3A_202 = arith.cmpi eq, %iota3A_57, %add3A_201 : vector<128x128xi32>
      %convert_element_type3A_203 = arith.extui %eq3A_202 : vector<128x128xi1> to vector<128x128xi32>
      %convert_element_type3A_204 = arith.sitofp %convert_element_type3A_203 : vector<128x128xi32> to vector<128x128xf32>
      %dot_general3A_205 = arith.constant dense<0.000000e+00> : vector<128x1024xf32>
      %dot_general3A_206 = tpu.matmul %convert_element_type3A_195, %dot_general3A_24, %dot_general3A_205 {dimension_numbers = #tpu.dot_dimension_numbers<[1], [0], [0], [1], [0, 0, 1, 1], [], []>, transpose_lhs_hint = false} : vector<128x64xf32>, vector<64x1024xf32>, vector<128x1024xf32> -> vector<128x1024xf32>
      %dot_general3A_207 = arith.constant dense<0.000000e+00> : vector<128x1024xf32>
      %dot_general3A_208 = tpu.matmul %convert_element_type3A_204, %dot_general3A_35, %dot_general3A_207 {dimension_numbers = #tpu.dot_dimension_numbers<[1], [0], [0], [1], [0, 0, 1, 1], [], []>, transpose_lhs_hint = false} : vector<128x128xf32>, vector<128x1024xf32>, vector<128x1024xf32> -> vector<128x1024xf32>
      %convert_element_type3A_209 = arith.sitofp %add3A_183 : i32 to f32
      %lt3A_210 = arith.constant 64 : i32
      %lt3A_211 = vector.broadcast %lt3A_210 : i32 to vector<128x1xi32>
      %lt3A_212 = arith.cmpi slt, %iota3A_51, %lt3A_211 : vector<128x1xi32>
      %div3A_213 = arith.constant 1.000000e+00 : f32
      %div3A_214 = arith.divf %div3A_213, %convert_element_type3A_209 : f32
      %add3A_215 = arith.constant 3.100000e+01 : f32
      %add3A_216 = arith.addf %convert_element_type3A_209, %add3A_215 : f32
      %div3A_217 = arith.constant 1.000000e+00 : f32
      %div3A_218 = arith.divf %div3A_217, %add3A_216 : f32
      %broadcast_in_dim3A_219 = vector.broadcast %div3A_214 : f32 to vector<128x1xf32>
      %broadcast_in_dim3A_220 = vector.broadcast %div3A_218 : f32 to vector<128x1xf32>
      %select_n3A_221 = arith.select %lt3A_212, %broadcast_in_dim3A_219, %broadcast_in_dim3A_220 : vector<128x1xi1>, vector<128x1xf32>
      %add3A_222 = arith.addf %concatenate3A_36, %dot_general3A_206 : vector<128x1024xf32>
      %sub3A_223 = arith.subf %dot_general3A_208, %concatenate3A_37 : vector<128x1024xf32>
      %mul3A_224 = vector.broadcast %select_n3A_221 : vector<128x1xf32> to vector<128x1024xf32>
      %mul3A_225 = arith.mulf %sub3A_223, %mul3A_224 : vector<128x1024xf32>
      %add3A_226 = arith.addf %add3A_222, %mul3A_225 : vector<128x1024xf32>
      %add3A_227 = vector.broadcast %get3A_40 : vector<1x1024xf32> to vector<128x1024xf32>
      %add3A_228 = arith.addf %add3A_226, %add3A_227 : vector<128x1024xf32>
      %max3A_229 = arith.constant 0.000000e+00 : f32
      %max3A_230 = vector.broadcast %max3A_229 : f32 to vector<128x1024xf32>
      %max3A_231 = arith.maximumf %add3A_228, %max3A_230 : vector<128x1024xf32>
      %dot_general3A_232 = arith.constant dense<0.000000e+00> : vector<128x256xf32>
      %dot_general3A_233 = tpu.matmul %max3A_231, %get3A_49, %dot_general3A_232 {dimension_numbers = #tpu.dot_dimension_numbers<[1], [0], [0], [1], [0, 0, 1, 1], [], []>, transpose_lhs_hint = false} : vector<128x1024xf32>, vector<1024x256xf32>, vector<128x256xf32> -> vector<128x256xf32>
      %add3A_234 = vector.broadcast %get3A_43 : vector<1x256xf32> to vector<128x256xf32>
      %add3A_235 = arith.addf %dot_general3A_233, %add3A_234 : vector<128x256xf32>
      %sub3A_236 = arith.constant 64 : i32
      %sub3A_237 = arith.subi %sub3A_236, %add3A_183 : i32
      %eq3A_238 = vector.broadcast %sub3A_237 : i32 to vector<128x1xi32>
      %eq3A_239 = arith.cmpi eq, %iota3A_51, %eq3A_238 : vector<128x1xi32>
      %sub3A_240 = arith.constant 97 : i32
      %sub3A_241 = arith.subi %sub3A_240, %add3A_183 : i32
      %eq3A_242 = vector.broadcast %sub3A_241 : i32 to vector<128x1xi32>
      %eq3A_243 = arith.cmpi eq, %iota3A_51, %eq3A_242 : vector<128x1xi32>
      %or3A = arith.ori %eq3A_239, %eq3A_243 : vector<128x1xi1>
      %and3A_244 = vector.broadcast %or3A : vector<128x1xi1> to vector<128x256xi1>
      %and3A_245 = vector.broadcast %eq3A_55 : vector<1x256xi1> to vector<128x256xi1>
      %and3A_246 = arith.andi %and3A_244, %and3A_245 : vector<128x256xi1>
      %convert_element_type3A_247 = arith.extui %and3A_246 : vector<128x256xi1> to vector<128x256xi32>
      %convert_element_type3A_248 = arith.sitofp %convert_element_type3A_247 : vector<128x256xi32> to vector<128x256xf32>
      %sub3A_249 = arith.subf %add3A_235, %convert_element_type3A_248 : vector<128x256xf32>
      %jit3A_250 = arith.constant 0.000000e+00 : f32
      %broadcast_in_dim3A_251 = vector.broadcast %jit3A_250 : f32 to vector<128x256xf32>
      %select_n3A_252 = arith.select %and3A_246, %sub3A_249, %broadcast_in_dim3A_251 : vector<128x256xi1>, vector<128x256xf32>
      %reduce_sum3A_253 = vector.shape_cast %select_n3A_252 : vector<128x256xf32> to vector<1x128x256xf32>
      %reduce_sum3A_254 = arith.constant dense<0.000000e+00> : vector<1xf32>
      %reduce_sum3A_255 = vector.multi_reduction <add>, %reduce_sum3A_253, %reduce_sum3A_254 [1, 2] : vector<1x128x256xf32> to vector<1xf32>
      %reduce_sum3A_256 = vector.shape_cast %reduce_sum3A_255 : vector<1xf32> to vector<1x1x1xf32>
      %reduce_sum3A_257 = vector.extract %reduce_sum3A_256[0, 0, 0] : f32 from vector<1x1x1xf32>
      %add3A_258 = arith.addf %scan3A_179, %reduce_sum3A_257 : f32
      %reduce_max3A_259 = arith.constant dense<0xFF800000> : vector<128xf32>
      %reduce_max3A_260 = vector.multi_reduction <maximumf>, %sub3A_249, %reduce_max3A_259 [1] : vector<128x256xf32> to vector<128xf32>
      %broadcast_in_dim3A_261 = vector.shape_cast %reduce_max3A_260 : vector<128xf32> to vector<128x1xf32>
      %eq3A_262 = vector.broadcast %add3A_183 : i32 to vector<64x128xi32>
      %eq3A_263 = arith.cmpi eq, %iota3A_56, %eq3A_262 : vector<64x128xi32>
      %slice3A_264 = vector.extract_strided_slice %broadcast_in_dim3A_261 {offsets = [0, 0], sizes = [64, 1], strides = [1, 1]} : vector<128x1xf32> to vector<64x1xf32>
      %broadcast_in_dim3A_265 = vector.shape_cast %slice3A_264 : vector<64x1xf32> to vector<64x1xf32>
      %broadcast_in_dim3A_266 = vector.broadcast %broadcast_in_dim3A_265 : vector<64x1xf32> to vector<64x128xf32>
      %select_n3A_267 = arith.select %eq3A_263, %broadcast_in_dim3A_266, %scan3A_181 : vector<64x128xi1>, vector<64x128xf32>
      %add3A_268 = arith.constant 31 : i32
      %add3A_269 = arith.addi %add3A_183, %add3A_268 : i32
      %eq3A_270 = vector.broadcast %add3A_269 : i32 to vector<64x128xi32>
      %eq3A_271 = arith.cmpi eq, %iota3A_56, %eq3A_270 : vector<64x128xi32>
      %slice3A_272 = vector.extract_strided_slice %broadcast_in_dim3A_261 {offsets = [64, 0], sizes = [64, 1], strides = [1, 1]} : vector<128x1xf32> to vector<64x1xf32>
      %broadcast_in_dim3A_273 = vector.shape_cast %slice3A_272 : vector<64x1xf32> to vector<64x1xf32>
      %broadcast_in_dim3A_274 = vector.broadcast %broadcast_in_dim3A_273 : vector<64x1xf32> to vector<64x128xf32>
      %select_n3A_275 = arith.select %eq3A_271, %broadcast_in_dim3A_274, %select_n3A_267 : vector<64x128xi1>, vector<64x128xf32>
      %dot_general3A_276 = arith.constant dense<0.000000e+00> : vector<128x1xf32>
      %dot_general3A_277 = tpu.matmul %max3A_231, %get3A_46, %dot_general3A_276 {dimension_numbers = #tpu.dot_dimension_numbers<[1], [0], [0], [1], [0, 0, 1, 1], [], []>, transpose_lhs_hint = false} : vector<128x1024xf32>, vector<1024x1xf32>, vector<128x1xf32> -> vector<128x1xf32>
      %jit3A_278 = arith.constant 0.000000e+00 : f32
      %broadcast_in_dim3A_279 = vector.broadcast %jit3A_278 : f32 to vector<128x1xf32>
      %select_n3A_280 = arith.select %or3A, %dot_general3A_277, %broadcast_in_dim3A_279 : vector<128x1xi1>, vector<128x1xf32>
      %reduce_sum3A_281 = vector.shape_cast %select_n3A_280 : vector<128x1xf32> to vector<1x128x1xf32>
      %reduce_sum3A_282 = arith.constant dense<0.000000e+00> : vector<1xf32>
      %reduce_sum3A_283 = vector.multi_reduction <add>, %reduce_sum3A_281, %reduce_sum3A_282 [1, 2] : vector<1x128x1xf32> to vector<1xf32>
      %reduce_sum3A_284 = vector.shape_cast %reduce_sum3A_283 : vector<1xf32> to vector<1x1x1xf32>
      %reduce_sum3A_285 = vector.extract %reduce_sum3A_284[0, 0, 0] : f32 from vector<1x1x1xf32>
      %add3A_286 = arith.addf %scan3A_180, %reduce_sum3A_285 : f32
      scf.yield %add3A_258, %add3A_286, %select_n3A_275 : f32, f32, vector<64x128xf32>
    }
    %scan3A_78 = arith.constant 31 : i32
    %roll3A = arith.constant 1 : i32
    %roll3A_79 = tpu.dynamic_rotate %dot_general3A_24 by %roll3A dim 0 : vector<64x1024xf32>, i32 -> vector<64x1024xf32>
    %add3A = arith.addf %dot_general3A_19, %roll3A_79 : vector<64x1024xf32>
    %slice3A_80 = vector.extract_strided_slice %dot_general3A_35 {offsets = [64, 0], sizes = [64, 1024], strides = [1, 1]} : vector<128x1024xf32> to vector<64x1024xf32>
    %sub3A = arith.subf %slice3A_80, %slice3A : vector<64x1024xf32>
    %mul3A_81 = arith.constant 1.562500e-02 : f32
    %mul3A_82 = vector.broadcast %mul3A_81 : f32 to vector<64x1024xf32>
    %mul3A_83 = arith.mulf %sub3A, %mul3A_82 : vector<64x1024xf32>
    %add3A_84 = arith.addf %add3A, %mul3A_83 : vector<64x1024xf32>
    %add3A_85 = vector.broadcast %get3A_40 : vector<1x1024xf32> to vector<64x1024xf32>
    %add3A_86 = arith.addf %add3A_84, %add3A_85 : vector<64x1024xf32>
    %max3A = arith.constant 0.000000e+00 : f32
    %max3A_87 = vector.broadcast %max3A : f32 to vector<64x1024xf32>
    %max3A_88 = arith.maximumf %add3A_86, %max3A_87 : vector<64x1024xf32>
    %dot_general3A_89 = arith.constant dense<0.000000e+00> : vector<64x256xf32>
    %dot_general3A_90 = tpu.matmul %max3A_88, %get3A_49, %dot_general3A_89 {dimension_numbers = #tpu.dot_dimension_numbers<[1], [0], [0], [1], [0, 0, 1, 1], [], []>, transpose_lhs_hint = false} : vector<64x1024xf32>, vector<1024x256xf32>, vector<64x256xf32> -> vector<64x256xf32>
    %add3A_91 = vector.broadcast %get3A_43 : vector<1x256xf32> to vector<64x256xf32>
    %add3A_92 = arith.addf %dot_general3A_90, %add3A_91 : vector<64x256xf32>
    %eq3A_93 = arith.constant 0 : i32
    %eq3A_94 = vector.broadcast %eq3A_93 : i32 to vector<64x1xi32>
    %eq3A_95 = arith.cmpi eq, %iota3A_50, %eq3A_94 : vector<64x1xi32>
    %and3A_96 = vector.broadcast %eq3A_95 : vector<64x1xi1> to vector<64x256xi1>
    %and3A_97 = vector.broadcast %eq3A_55 : vector<1x256xi1> to vector<64x256xi1>
    %and3A_98 = arith.andi %and3A_96, %and3A_97 : vector<64x256xi1>
    %convert_element_type3A_99 = arith.extui %and3A_98 : vector<64x256xi1> to vector<64x256xi32>
    %convert_element_type3A_100 = arith.sitofp %convert_element_type3A_99 : vector<64x256xi32> to vector<64x256xf32>
    %sub3A_101 = arith.subf %add3A_92, %convert_element_type3A_100 : vector<64x256xf32>
    %jit3A = arith.constant 0.000000e+00 : f32
    %broadcast_in_dim3A_102 = vector.broadcast %jit3A : f32 to vector<64x256xf32>
    %select_n3A = arith.select %and3A_98, %sub3A_101, %broadcast_in_dim3A_102 : vector<64x256xi1>, vector<64x256xf32>
    %reduce_sum3A = vector.shape_cast %select_n3A : vector<64x256xf32> to vector<1x64x256xf32>
    %reduce_sum3A_103 = arith.constant dense<0.000000e+00> : vector<1xf32>
    %reduce_sum3A_104 = vector.multi_reduction <add>, %reduce_sum3A, %reduce_sum3A_103 [1, 2] : vector<1x64x256xf32> to vector<1xf32>
    %reduce_sum3A_105 = vector.shape_cast %reduce_sum3A_104 : vector<1xf32> to vector<1x1x1xf32>
    %reduce_sum3A_106 = vector.extract %reduce_sum3A_105[0, 0, 0] : f32 from vector<1x1x1xf32>
    %add3A_107 = arith.addf %scan3A_77#0, %reduce_sum3A_106 : f32
    %reduce_max3A = arith.constant dense<0xFF800000> : vector<64xf32>
    %reduce_max3A_108 = vector.multi_reduction <maximumf>, %sub3A_101, %reduce_max3A [1] : vector<64x256xf32> to vector<64xf32>
    %broadcast_in_dim3A_109 = vector.shape_cast %reduce_max3A_108 : vector<64xf32> to vector<64x1xf32>
    %eq3A_110 = arith.constant 64 : i32
    %eq3A_111 = vector.broadcast %eq3A_110 : i32 to vector<64x128xi32>
    %eq3A_112 = arith.cmpi eq, %iota3A_56, %eq3A_111 : vector<64x128xi32>
    %broadcast_in_dim3A_113 = vector.shape_cast %broadcast_in_dim3A_109 : vector<64x1xf32> to vector<64x1xf32>
    %broadcast_in_dim3A_114 = vector.broadcast %broadcast_in_dim3A_113 : vector<64x1xf32> to vector<64x128xf32>
    %select_n3A_115 = arith.select %eq3A_112, %broadcast_in_dim3A_114, %scan3A_77#2 : vector<64x128xi1>, vector<64x128xf32>
    %dot_general3A_116 = arith.constant dense<0.000000e+00> : vector<64x1xf32>
    %dot_general3A_117 = tpu.matmul %max3A_88, %get3A_46, %dot_general3A_116 {dimension_numbers = #tpu.dot_dimension_numbers<[1], [0], [0], [1], [0, 0, 1, 1], [], []>, transpose_lhs_hint = false} : vector<64x1024xf32>, vector<1024x1xf32>, vector<64x1xf32> -> vector<64x1xf32>
    %eq3A_118 = arith.constant 0 : i32
    %eq3A_119 = vector.broadcast %eq3A_118 : i32 to vector<64x1xi32>
    %eq3A_120 = arith.cmpi eq, %iota3A_50, %eq3A_119 : vector<64x1xi32>
    %jit3A_121 = arith.constant 0.000000e+00 : f32
    %broadcast_in_dim3A_122 = vector.broadcast %jit3A_121 : f32 to vector<64x1xf32>
    %select_n3A_123 = arith.select %eq3A_120, %dot_general3A_117, %broadcast_in_dim3A_122 : vector<64x1xi1>, vector<64x1xf32>
    %reduce_sum3A_124 = vector.shape_cast %select_n3A_123 : vector<64x1xf32> to vector<1x64x1xf32>
    %reduce_sum3A_125 = arith.constant dense<0.000000e+00> : vector<1xf32>
    %reduce_sum3A_126 = vector.multi_reduction <add>, %reduce_sum3A_124, %reduce_sum3A_125 [1, 2] : vector<1x64x1xf32> to vector<1xf32>
    %reduce_sum3A_127 = vector.shape_cast %reduce_sum3A_126 : vector<1xf32> to vector<1x1x1xf32>
    %reduce_sum3A_128 = vector.extract %reduce_sum3A_127[0, 0, 0] : f32 from vector<1x1x1xf32>
    %add3A_129 = arith.addf %scan3A_77#1, %reduce_sum3A_128 : f32
    %broadcast_in_dim3A_130 = arith.constant 0.000000e+00 : f32
    %broadcast_in_dim3A_131 = vector.broadcast %broadcast_in_dim3A_130 : f32 to vector<64x128xf32>
    %eq3A_132 = arith.constant 63 : i32
    %eq3A_133 = vector.broadcast %eq3A_132 : i32 to vector<128x128xi32>
    %eq3A_134 = arith.cmpi eq, %iota3A_57, %eq3A_133 : vector<128x128xi32>
    %broadcast_in_dim3A_135 = arith.constant -1.000000e+30 : f32
    %broadcast_in_dim3A_136 = vector.broadcast %broadcast_in_dim3A_135 : f32 to vector<128x128xf32>
    %jit3A_137 = arith.constant 0.000000e+00 : f32
    %broadcast_in_dim3A_138 = vector.broadcast %jit3A_137 : f32 to vector<128x128xf32>
    %select_n3A_139 = arith.select %eq3A_134, %broadcast_in_dim3A_138, %broadcast_in_dim3A_136 : vector<128x128xi1>, vector<128x128xf32>
    %scan3A_140 = arith.constant 2 : i32
    %scan3A_141 = arith.constant 63 : i32
    %scan3A_142 = arith.addi %scan3A_140, %scan3A_141 : i32
    %scan3A_143 = arith.constant 1 : i32
    %scan3A_144:2 = scf.for %scan3A_178 = %scan3A_140 to %scan3A_142 step %scan3A_143 iter_args(%scan3A_179 = %broadcast_in_dim3A_131, %scan3A_180 = %select_n3A_139) -> (vector<64x128xf32>, vector<128x128xf32>)  : i32 {
      %sub3A_181 = arith.constant 128 : i32
      %sub3A_182 = arith.subi %sub3A_181, %scan3A_178 : i32
      %roll3A_183 = tpu.dynamic_rotate %scan3A_180 by %sub3A_182 dim 0 : vector<128x128xf32>, i32 -> vector<128x128xf32>
      %add3A_184 = arith.constant 64 : i32
      %add3A_185 = arith.addi %add3A_184, %scan3A_178 : i32
      %roll3A_186 = tpu.dynamic_rotate %roll3A_183 by %add3A_185 dim 1 : vector<128x128xf32>, i32 -> vector<128x128xf32>
      %slice3A_187 = vector.extract_strided_slice %scan3A_179 {offsets = [0, 0], sizes = [64, 64], strides = [1, 1]} : vector<64x128xf32> to vector<64x64xf32>
      %slice3A_188 = vector.extract_strided_slice %roll3A_186 {offsets = [0, 0], sizes = [64, 64], strides = [1, 1]} : vector<128x128xf32> to vector<64x64xf32>
      %add3A_189 = arith.addf %slice3A_187, %slice3A_188 : vector<64x64xf32>
      %reduce_max3A_190 = arith.constant dense<0xFF800000> : vector<64xf32>
      %reduce_max3A_191 = vector.multi_reduction <maximumf>, %add3A_189, %reduce_max3A_190 [1] : vector<64x64xf32> to vector<64xf32>
      %broadcast_in_dim3A_192 = vector.shape_cast %reduce_max3A_191 : vector<64xf32> to vector<64x1xf32>
      %eq3A_193 = vector.broadcast %scan3A_178 : i32 to vector<64x128xi32>
      %eq3A_194 = arith.cmpi eq, %iota3A_56, %eq3A_193 : vector<64x128xi32>
      %jit3A_195 = arith.constant 0.000000e+00 : f32
      %broadcast_in_dim3A_196 = vector.broadcast %jit3A_195 : f32 to vector<64x128xf32>
      %select_n3A_197 = arith.select %eq3A_194, %select_n3A_115, %broadcast_in_dim3A_196 : vector<64x128xi1>, vector<64x128xf32>
      %reduce_sum3A_198 = arith.constant dense<0.000000e+00> : vector<64xf32>
      %reduce_sum3A_199 = vector.multi_reduction <add>, %select_n3A_197, %reduce_sum3A_198 [1] : vector<64x128xf32> to vector<64xf32>
      %broadcast_in_dim3A_200 = vector.shape_cast %reduce_sum3A_199 : vector<64xf32> to vector<64x1xf32>
      %add3A_201 = arith.addf %broadcast_in_dim3A_200, %broadcast_in_dim3A_192 : vector<64x1xf32>
      %eq3A_202 = vector.broadcast %scan3A_178 : i32 to vector<64x128xi32>
      %eq3A_203 = arith.cmpi eq, %iota3A_56, %eq3A_202 : vector<64x128xi32>
      %broadcast_in_dim3A_204 = vector.shape_cast %add3A_201 : vector<64x1xf32> to vector<64x1xf32>
      %broadcast_in_dim3A_205 = vector.broadcast %broadcast_in_dim3A_204 : vector<64x1xf32> to vector<64x128xf32>
      %select_n3A_206 = arith.select %eq3A_203, %broadcast_in_dim3A_205, %scan3A_179 : vector<64x128xi1>, vector<64x128xf32>
      %broadcast_in_dim3A_207 = arith.constant 0.000000e+00 : f32
      %broadcast_in_dim3A_208 = vector.broadcast %broadcast_in_dim3A_207 : f32 to vector<64x1xf32>
      %concatenate3A_209 = tpu.concatenate %add3A_201, %broadcast_in_dim3A_208 in 0 : vector<64x1xf32>, vector<64x1xf32> -> vector<128x1xf32>
      %roll3A_210 = tpu.dynamic_rotate %concatenate3A_209 by %scan3A_178 dim 0 : vector<128x1xf32>, i32 -> vector<128x1xf32>
      %sub3A_211 = arith.constant 64 : i32
      %sub3A_212 = arith.subi %sub3A_211, %scan3A_178 : i32
      %eq3A_213 = vector.broadcast %sub3A_212 : i32 to vector<128x128xi32>
      %eq3A_214 = arith.cmpi eq, %iota3A_57, %eq3A_213 : vector<128x128xi32>
      %broadcast_in_dim3A_215 = vector.shape_cast %roll3A_210 : vector<128x1xf32> to vector<128x1xf32>
      %broadcast_in_dim3A_216 = vector.broadcast %broadcast_in_dim3A_215 : vector<128x1xf32> to vector<128x128xf32>
      %select_n3A_217 = arith.select %eq3A_214, %broadcast_in_dim3A_216, %scan3A_180 : vector<128x128xi1>, vector<128x128xf32>
      scf.yield %select_n3A_206, %select_n3A_217 : vector<64x128xf32>, vector<128x128xf32>
    }
    %scan3A_145 = arith.constant 63 : i32
    %iota3A_146 = tpu.iota {dimensions = array<i32: 0>} : vector<64x128xi32>
    %eq3A_147 = arith.constant 0 : i32
    %eq3A_148 = vector.broadcast %eq3A_147 : i32 to vector<64x128xi32>
    %eq3A_149 = arith.cmpi eq, %iota3A_146, %eq3A_148 : vector<64x128xi32>
    %eq3A_150 = arith.constant 64 : i32
    %eq3A_151 = vector.broadcast %eq3A_150 : i32 to vector<64x128xi32>
    %eq3A_152 = arith.cmpi eq, %iota3A_56, %eq3A_151 : vector<64x128xi32>
    %and3A_153 = arith.andi %eq3A_149, %eq3A_152 : vector<64x128xi1>
    %jit3A_154 = arith.constant 0.000000e+00 : f32
    %broadcast_in_dim3A_155 = vector.broadcast %jit3A_154 : f32 to vector<64x128xf32>
    %select_n3A_156 = arith.select %and3A_153, %scan3A_144#0, %broadcast_in_dim3A_155 : vector<64x128xi1>, vector<64x128xf32>
    %reduce_sum3A_157 = vector.shape_cast %select_n3A_156 : vector<64x128xf32> to vector<1x64x128xf32>
    %reduce_sum3A_158 = arith.constant dense<0.000000e+00> : vector<1xf32>
    %reduce_sum3A_159 = vector.multi_reduction <add>, %reduce_sum3A_157, %reduce_sum3A_158 [1, 2] : vector<1x64x128xf32> to vector<1xf32>
    %reduce_sum3A_160 = vector.shape_cast %reduce_sum3A_159 : vector<1xf32> to vector<1x1x1xf32>
    %reduce_sum3A_161 = vector.extract %reduce_sum3A_160[0, 0, 0] : f32 from vector<1x1x1xf32>
    %sub3A_162 = arith.subf %reduce_sum3A_161, %add3A_107 : f32
    %max3A_163 = arith.constant 0.000000e+00 : f32
    %max3A_164 = arith.maximumf %sub3A_162, %max3A_163 : f32
    %div3A = arith.constant 6.300000e+01 : f32
    %div3A_165 = arith.divf %max3A_164, %div3A : f32
    %div3A_166 = arith.constant 6.300000e+01 : f32
    %div3A_167 = arith.divf %add3A_129, %div3A_166 : f32
    %get3A_168 = arith.constant 0 : index
    %get3A_169 = arith.constant 0 : index
    %get3A_170 = vector.load %arg8[%get3A_168, %get3A_169] : memref<1x1xf32, #tpu.memory_space<vmem>>, vector<1x1xf32>
    %get3A_171 = vector.extract %get3A_170[0, 0] : f32 from vector<1x1xf32>
    %add3A_172 = arith.addf %div3A_167, %get3A_171 : f32
    %neg3A = arith.constant 0.000000e+00 : f32
    %neg3A_173 = arith.subf %neg3A, %add3A_172 : f32
    %add3A_174 = arith.addf %neg3A_173, %div3A_165 : f32
    %broadcast_in_dim3A_175 = vector.broadcast %add3A_174 : f32 to vector<1x1xf32>
    %swap3A = arith.constant 0 : index
    %swap3A_176 = arith.constant 0 : index
    %swap3A_177 = vector.load %arg9[%swap3A, %swap3A_176] : memref<1x1xf32, #tpu.memory_space<vmem>>, vector<1x1xf32>
    tpu.vector_store %arg9[%swap3A, %swap3A_176], %broadcast_in_dim3A_175 {strides = array<i32>} : memref<1x1xf32, #tpu.memory_space<vmem>>, vector<1x1xf32>,
    return
  }
}

</mosaic_0001>

<sc_bundles>
// kernel: kernel.4.cloned.1.call-start
scs
__scs_entry_jumppad:
0x0: {  	(pc) =	sbr.rel $0x88, $3  }
0x1: {  	(tag) =	ssettag $0x0;
	lr =	simm.s32 $0x1  }
0x2: {  	[smem:$0x3F95] =	sst lr;
	_ =	strace $0xD0000000  }
0x3: {  	_ = 	snop  }
0x4: {  	_ = 	snop  }
0x5: {  	_ = 	snop  }
0x6: {  	_ = 	snop  }
0x7: {  	_ = 	snop  }
__scs_overlays_trampoline_lowered:
0x8: {  	[smem:$0x3FA4] =	sst s0  }
0x9: {  	[smem:$0x3FA5] =	sst s1  }
0xa: {  	[smem:$0x3FA6] =	sst s2  }
0xb: {  	[smem:$0x3FA7] =	sst s3  }
0xc: {  	[smem:$0x3FA8] =	sst s4  }
0xd: {  	[smem:$0x3FA9] =	sst s5  }
0xe: {  	[smem:$0x3FAA] =	sst s6  }
0xf: {  	[smem:$0x3FAB] =	sst s7  }
0x10: {  	[smem:$0x3FAC] =	sst s8  }
0x11: {  	[smem:$0x3FAD] =	sst s9;
	s0 =	simm.s32 @!p0 $0x0  }
0x12: {  	s1 =	sld [smem:$0x3F93];
	s0 =	simm.s32 @p0 $0x1  }
0x13: {  	[smem:$0x3FAE] =	sst s0;
	s0 =	simm.s32 @!p1 $0x0  }
0x14: {  	s2 =	sld [smem:$0x3F92];
	s0 =	simm.s32 @p1 $0x1  }
0x15: {  	[smem:$0x3FAF] =	sst s0;
	s0 =	simm.s32 @!p2 $0x0  }
0x16: {  	s3 =	sld [smem:$0x3FDB];
	s0 =	simm.s32 @p2 $0x1  }
0x17: {  	s4 =	simm.s32 $0x1BF5;
	[smem:$0x3FB1] =	sst s0  }
0x18: {  	s0 =	sld [smem:$0x3F94];
	_ =	swait.ge [sflag:s4], $0x0  }
0x19: {  	s7 =	sld [smem:$0x3F95]  }
0x1a: {  	s8 =	sadd.s32 $0xFFFFE003, lr  }
0x1b: {  	s9 =	sadd.s32 $0xFFFFFEF7, lr;
	s5 =	simm.s32 $0xFFFFFFFF;
	p2 =	slt.u32 s8, $0xFFFFF086  }
0x1c: {  	p1 =	slt.u32 s9, $0xF7A;
	s5 =	simm.s32 @!p2 $0x0  }
0x1d: {  	s5 =	simm.s32 @p1 $0x1;
	p0 =	seq.s32 s7, s2  }
0x1e: {  	s7 =	smul.u32 @!p0 $0xF7A, s2;
	p2 =	seq.s32 @!p0 s5, $0x0  }
0x1f: {  	s9 =	smul.u32 $0xF7A, s1;
	s8 =	simm.s32 @!p0 $0x1BF5;
	p2 =	por !p2, p0  }
0x20: {  	[sflag:s8] =	ssyncset.s32 @!p0 $0xFFFFF086;
	s6 =	sadd.s32 @!p0 s3, s7;
	s7 =	simm.s32 @!p0 $0x108  }
0x21: {  	s3 =	sadd.s32 s3, s9;
	s6 =	sadd.s32 @!p0 $0x88, s6;
	s7 =	simm.s32 @p2 $0x1082  }
0x22: {  	[simem:s7], [sflag:s8] =	dma.local @!p0 [hbm:s6], $0xF7A  }
0x23: {  	s9 =	sor.u32 $0xD0000000, s2;
	s6 =	simm.s32 $0x108;
	_ =	swait.ge @!p0 [sflag:s8], $0x0  }
0x24: {  	s3 =	sadd.s32 $0x88, s3;
	s6 =	simm.s32 @!p1 $0x1082;
	[sflag:s4] =	ssyncset.s32 $0xFFFFF086  }
0x25: {  	[simem:s6], [sflag:s4] =	dma.local [hbm:s3], $0xF7A  }
0x26: {  	[smem:$0x3F95] =	sst s1;
	(tag) =	ssettag s2;
	_ =	strace s9  }
0x27: {  	s1 =	sld [smem:$0x3FA5]  }
0x28: {  	s2 =	sld [smem:$0x3FA6]  }
0x29: {  	s4 =	sld [smem:$0x3FA8]  }
0x2a: {  	p0 =	seq.s32 s5, $0x0;
	s5 =	sld [smem:$0x3FA9]  }
0x2b: {  	s6 =	sld [smem:$0x3FAA]  }
0x2c: {  	s7 =	sld [smem:$0x3FAB]  }
0x2d: {  	s3 =	simm.s32 $0x108;
	s8 =	sld [smem:$0x3FAC]  }
0x2e: {  	s3 =	simm.s32 @!p0 $0x1082;
	s9 =	sld [smem:$0x3FAD]  }
0x2f: {  	lr =	sadd.s32 s0, s3;
	s0 =	sld [smem:$0x3FA4]  }
0x30: {  	s3 =	sld [smem:$0x3FA7]  }
0x31: {  	[smem:$0x3FB0] =	sst s10  }
0x32: {  	s10 =	sld [smem:$0x3FAE];
	_ =	sdelay $0x3  }
0x33: {  	p0 =	seq.s32 s10, $0x1;
	s10 =	sld [smem:$0x3FB0];
	_ =	sdelay $0x3  }
0x34: {  	[smem:$0x3FB0] =	sst s10  }
0x35: {  	s10 =	sld [smem:$0x3FAF];
	_ =	sdelay $0x3  }
0x36: {  	p1 =	seq.s32 s10, $0x1;
	s10 =	sld [smem:$0x3FB0];
	_ =	sdelay $0x3  }
0x37: {  	[smem:$0x3FB0] =	sst s10  }
0x38: {  	s10 =	sld [smem:$0x3FB1]  }
0x39: {  	_ = 	snop;
	(pc) =	sbr.ind lr, $3  }
0x3a: {  	_ = 	snop  }
0x3b: {  	_ = 	snop  }
0x3c: {  	p2 =	seq.s32 s10, $0x1;
	s10 =	sld [smem:$0x3FB0]  }
0x3d: {  	_ =	shalt  }
0x3e: {  	_ =	shalt  }
0x3f: {  	_ =	shalt  }
0x40: {  	_ =	shalt  }
0x41: {  	_ =	shalt  }
0x42: {  	_ =	shalt  }
0x43: {  	_ =	shalt  }
0x44: {  	_ =	shalt  }
0x45: {  	_ =	shalt  }
0x46: {  	_ =	shalt  }
0x47: {  	_ =	shalt  }
0x48: {  	_ =	shalt  }
0x49: {  	_ =	shalt  }
0x4a: {  	_ =	shalt  }
0x4b: {  	_ =	shalt  }
0x4c: {  	_ =	shalt  }
0x4d: {  	_ =	shalt  }
0x4e: {  	_ =	shalt  }
0x4f: {  	_ =	shalt  }
0x50: {  	_ =	shalt  }
0x51: {  	_ =	shalt  }
0x52: {  	_ =	shalt  }
0x53: {  	_ =	shalt  }
0x54: {  	_ =	shalt  }
0x55: {  	_ =	shalt  }
0x56: {  	_ =	shalt  }
0x57: {  	_ =	shalt  }
0x58: {  	_ =	shalt  }
0x59: {  	_ =	shalt  }
0x5a: {  	_ =	shalt  }
0x5b: {  	_ =	shalt  }
0x5c: {  	_ =	shalt  }
0x5d: {  	_ =	shalt  }
0x5e: {  	_ =	shalt  }
0x5f: {  	_ =	shalt  }
0x60: {  	_ =	shalt  }
0x61: {  	_ =	shalt  }
0x62: {  	_ =	shalt  }
0x63: {  	_ =	shalt  }
0x64: {  	_ =	shalt  }
0x65: {  	_ =	shalt  }
0x66: {  	_ =	shalt  }
0x67: {  	_ =	shalt  }
0x68: {  	_ =	shalt  }
0x69: {  	_ =	shalt  }
0x6a: {  	_ =	shalt  }
0x6b: {  	_ =	shalt  }
0x6c: {  	_ =	shalt  }
0x6d: {  	_ =	shalt  }
0x6e: {  	_ =	shalt  }
0x6f: {  	_ =	shalt  }
0x70: {  	_ =	shalt  }
0x71: {  	_ =	shalt  }
0x72: {  	_ =	shalt  }
0x73: {  	_ =	shalt  }
0x74: {  	_ =	shalt  }
0x75: {  	_ =	shalt  }
0x76: {  	_ =	shalt  }
0x77: {  	_ =	shalt  }
0x78: {  	_ =	shalt  }
0x79: {  	_ =	shalt  }
0x7a: {  	_ =	shalt  }
0x7b: {  	_ =	shalt  }
0x7c: {  	_ =	shalt  }
0x7d: {  	_ =	shalt  }
0x7e: {  	_ =	shalt  }
0x7f: {  	_ =	shalt  }
0x80: {  	_ =	shalt  }
0x81: {  	_ =	shalt  }
0x82: {  	_ =	shalt  }
0x83: {  	_ =	shalt  }
0x84: {  	_ =	shalt  }
0x85: {  	_ =	shalt  }
0x86: {  	_ =	shalt  }
0x87: {  	_ =	shalt  }
.Lfunc_end0:
.L_simem_size_0:
called_computation_lowered:
.L_overlay_start_0:
0x88: {  	s2 =	sld [smem:$0x3FD9]  }
0x89: {  	s3 =	sld [smem:$0x3FFE];
	_ =	sdelay $0x1  }
0x8a: {  	s1 =	srdreg.scid  }
0x8b: {  	s0 =	sand.u32 $0x1, s1  }
0x8c: {  	s17 =	sshll.u32 s0, $0xA;
	s2 =	sadd.s32 s3, s2  }
0x8d: {  	s2 =	sadd.s32 s2, s17  }
0x8e: {  	[smem:$0x3FBC] =	sst s2  }
0x8f: {  	_ = 	snop  }
0x90: {  	s2 =	sld [smem:$0x3FC9]  }
0x91: {  	s18 =	sld [smem:$0x3FC7]  }
0x92: {  	s4 =	sld [smem:$0x3FC6]  }
0x93: {  	s5 =	sld [smem:$0x3FC5];
	(tm) =	ssettm $0x1  }
0x94: {  	s6 =	sld [smem:$0x3FFB];
	_ =	sdelay $0x3  }
0x95: {  	_ =	strace s6  }
0x96: {  	s6 =	sld [smem:$0x3FFC];
	_ =	sdelay $0x3  }
0x97: {  	_ =	strace s6  }
0x98: {  	s6 =	sld [smem:$0x3FFD];
	_ =	sdelay $0x3  }
0x99: {  	_ =	strace s6  }
0x9a: {  	_ =	strace $0x8FFFFFFF  }
0x9b: {  	s19 =	sld [smem:$0x3FDB];
	_ =	sdelay $0x1  }
0x9c: {  	s7 =	simm.s32 $_scs_section_size  }
0x9d: {  	s8 =	simm.s32 $_size__tile_overlayer_lowered;
	s9 =	simm.s32 $_tile_overlayer_lowered  }
0x9e: {  	s22 =	simm.s32 $0x1BFF;
	s21 =	sshll.u32 s9, $0x1;
	s6 =	sadd.s32 s7, s19  }
0x9f: {  	s10 =	simm.s32 $0x0;
	s20 =	sshll.u32 s8, $0x1;
	s8 =	sadd.s32 s21, s6  }
0xa0: {  	[timem:s10], [sflag:s22] =	dma.local [hbm:s8], s20  }
0xa1: {  	_ =	swait.ge [sflag:s22], s20  }
0xa2: {  	s7 =	ssub.s32 $0x0, s20;
	[sflag:s22] =	ssyncset.done $0x0  }
0xa3: {  	[sflag:s22] =	ssyncadd.s32 s7;
	_ =	sdelay $0x1  }
0xa4: {  	s23 =	simm.s32 $0x1B8B  }
0xa5: {  	_ =	swait.ge [sflag:s23], $0x1  }
0xa6: {  	[sflag:s23] =	ssyncset.done $0x0  }
0xa7: {  	s25 =	simm.s32 $0x1B8E;
	s24 =	sld [smem:$0x3FFE];
	[sflag:s23] =	ssyncadd.s32 $0xFFFFFFFF  }
0xa8: {  	s26 =	simm.s32 $execute0_lowered;
	[smem:$0x3FD2] =	sst s25  }
0xa9: {  	s8 =	sshll.u32 s26, $0x1;
	_ =	strace $0x80000046;
	[dreg:$0x1] =	wrdreg $0xFFFFFFFF  }
0xaa: {  	s28 =	simm.s32 $_size_execute0_lowered;
	s6 =	sadd.s32 s6, s8;
	[dreg:$0x0] =	wrdreg $0x0  }
0xab: {  	s8 =	sshll.u32 s28, $0x1;
	[dreg:$0x2] =	wrdreg s6  }
0xac: {  	[dreg:$0x3] =	wrdreg s8  }
0xad: {  	[dreg:$0x4] =	wrdreg $0xC0  }
0xae: {  	_ =	task [dreg:s10], $0x5FFFF  }
0xaf: {  	[dreg:$0x1] =	wrdreg $0xFFFFFFFF  }
0xb0: {  	[dreg:$0x0] =	wrdreg $0x60  }
0xb1: {  	[dreg:$0x2] =	wrdreg s2  }
0xb2: {  	[dreg:$0x3] =	wrdreg s24  }
0xb3: {  	[dreg:$0x4] =	wrdreg s18  }
0xb4: {  	[dreg:$0x5] =	wrdreg s4  }
0xb5: {  	[dreg:$0x6] =	wrdreg s5  }
0xb6: {  	[dreg:$0x7] =	wrdreg $0x9  }
0xb7: {  	_ =	task.clear_ibuf [dreg:s10], $0x8FFFF;
	_ =	strace $0x90000046  }
0xb8: {  	s29 =	simm.s32 $0x9;
	_ =	strace $0x80000048  }
0xb9: {  	_ =	swait.ge [sflag:s29], $0x1  }
0xba: {  	[sflag:s29] =	ssyncadd.s32 $0xFFFFFFFF  }
0xbb: {  	_ =	strace $0x90000048  }
0xbc: {  	_ =	sfence  }
0xbd: {  	s30 =	sld [smem:$0x0];
	_ =	sdelay $0x2  }
0xbe: {  	s31 =	sshll.u32 s1, $0xD;
	s1 =	sshrl.u32 s1, $0x2  }
0xbf: {  	s3 =	sand.u32 $0x4000, s31;
	s1 =	sadd.s32 s1, s30  }
0xc0: {  	s0 =	sor.u32 s3, s0;
	s1 =	sshll.u32 s1, $0x11  }
0xc1: {  	s0 =	sor.u32 s1, s0  }
0xc2: {  	s0 =	sadd.s32 $0x8F2B, s0  }
0xc3: {  	[sflag:s0] =	ssyncadd.remote.s32 $0x1  }
0xc4: {  	_ =	sfence.sel $0xFFFF  }
0xc5: {  	[dreg:$0x0] =	wrdreg $0xFFFFFFFF;
	(pc) =	sbr.abs _section_cstart, $3  }
0xc6: {  	[dreg:$0x1] =	wrdreg $0xFFFFFFFF  }
0xc7: {  	_ =	task.clear_ibuf [dreg:s10], $0x2FFFF;
	_ =	strace $0x9FFFFFFF  }
0xc8: {  	(tm) =	ssettm $0x7FFFFFFF  }
0xc9: {  	_ =	shalt  }
tec
execute0_lowered:
.L_overlay_start_1:
0x0: {  	(tag) =	ssettag $0x1  }
0x1: {  	s4 =	rddreg [dreg:$0x0]  }
0x2: {  	s3 =	rddreg [dreg:$0x1]  }
0x3: {  	s6 =	rddreg [dreg:$0x2]  }
0x4: {  	s5 =	rddreg [dreg:$0x3];
	s1 =	srdreg.scid  }
0x5: {  	s0 =	stileid.u32;
	s2 =	rddreg [dreg:$0x4];
	s9 =	simm.s32 $0x0  }
0x6: {  	p3 =	por $0x0, $0x0;
	s7 =	sand.u32 $0x1, s1;
	s1 =	rddreg [dreg:$0x5]  }
0x7: {  	s8 =	sshll.u32 s0, $0x1;
	[smem:$0x7FF] =	sst s9;
	p2 =	sgt.u32 s0, $0x3  }
0x8: {  	p0 =	slt.u32 s0, $0xC;
	s10 =	sor.u32 s7, s8;
	s7 =	ssub.s32 $0x2, s7  }
0x9: {  	_ =	strace $0x80000047;
	s28 =	sadd.s32 $0xFFFFFFF8, s8;
	s26 =	sshrl.u32 s7, $0x1  }
0xa: {  	s24 =	sshll.u32 s10, $0x6;
	s12 =	sshll.u32 s10, $0x9;
	s7 =	ssub.s32 s7, s26  }
0xb: {  	s13 =	sshll.u32 s10, $0x3;
	p1 =	sgt.u32 s28, $0xF;
	s31 =	smax.u32 s7, $0x1  }
0xc: {  	s9 =	sadd.s32 $0xFFFFFE00, s24;
	s12 =	sadd.s32 s12, s3;
	s30 =	sadd.s32 $0xFFFFFFFF, s31  }
0xd: {  	s13 =	sadd.s32 $0xFFFFFF40, s13;
	s11 =	sshrl.u32 s9, $0x3;
	p4 =	sne.s32 s30, $0x0  }
.Ltmp0:
0xe: {  	s9 =	sshll.u32 s9, $0x4;
	s25 =	sshll.u32 s13, $0x4;
	(pc) =	sbr.rel @!p4 .LBB2_3-.Ltmp0, $4  }
0xf: {  	s29 =	sshrl.u32 s13, $0x3;
	s14 =	sadd.s32 s11, s3;
	s15 =	sadd.s32 s9, s3  }
0x10: {  	s16 =	sadd.s32 s25, s3;
	s3 =	sadd.s32 $0x1E00, s3;
	s11 =	sadd.s32 s4, s10  }
0x11: {  	s10 =	sadd.s32 $0x100, s5;
	s9 =	sadd.s32 $0x6200, s12;
	s6 =	sadd.s32 s6, s29  }
0x12: {  	vm0 =	vmmov @!p2 $0xffff;
	s8 =	sadd.s32 $0x1C00, s14;
	s7 =	sadd.s32 $0x2200, s15;
	s4 =	sadd.s32 $0x7200, s16  }
0x13: {  	s12 =	simm.s32 @!p2 $0x0;
	s13 =	simm.s32 @!p2 $0x2  }
0x14: {  	[tilespmem:s12], [sflag:$0x2] =	stream.linear.gather @!p2 [hbm4b:s11+s12], $0x8, $0x38;
	[tilespmem:$0x3580] =	vst v63  }
0x15: {  	_ =	swait.ge @!p2 [sflag:s13], $0x8  }
0x16: {  	[sflag:s13] =	ssyncset.done @!p2 $0x0  }
0x17: {  	[sflag:s13] =	ssyncadd.s32 @!p2 $0xFFFFFFF8  }
0x18: {  	v0 =	vld.msk @!p2 [tilespmem:$0x0], $0xff;
	_ =	sdelay $0x4  }
0x19: {  	v1 =	vshll.u32 @!p2 v0, $0x2  }
0x1a: {  	v2 =	vlaneseq.u32 @!p2;
	v0 =	vand.u32 @!p2 $0x7, v0;
	v1 =	vand.u32 @!p2 $0xFFFFFFE0, v1  }
0x1b: {  	v1 =	vor.u32 @!p2 v0, v1;
	v0 =	vand.u32 @!p2 $0x7, v2;
	v2 =	vshrl.u32 @!p2 v2, $0x3  }
0x1c: {  	v3 =	vperm.xlane @!p2 v1, v0;
	v1 =	vmul.u32 @!p2 $0x8, v2;
	_ =	sdelay $0x1  }
0x1d: {  	v2 =	vadd.s32 @!p2 v1, v3;
	_ =	sdelay $0x3  }
0x1e: {  	s14 =	simm.s32 @!p2 $0x80  }
0x1f: {  	[tilespmem:s14], [sflag:$0x1] =	stream.indirect_vreg.gather @!p2 [hbm4b:s5+s12], $0x80, v2, vm0, $0xb8;
	[tilespmem:$0x3580] =	vst v63  }
0x20: {  	s15 =	simm.s32 @!p2 $0x880;
	s16 =	simm.s32 @!p2 $0x1  }
0x21: {  	[tilespmem:s15], [sflag:$0x1] =	stream.indirect_vreg.gather @!p2 [hbm4b:s10+s12], $0x80, v2, vm0, $0xb8;
	[tilespmem:$0x3580] =	vst v63  }
0x22: {  	_ =	swait.ge @!p2 [sflag:s16], $0x1000  }
0x23: {  	[sflag:s16] =	ssyncset.done @!p2 $0x0  }
0x24: {  	[sflag:s16] =	ssyncadd.s32 @!p2 $0xFFFFF000  }
0x25: {  	[hbm4b:s9+s12] =	stream.linear.scatter @!p2 [tilespmem:s14], [sflag:$0x2], $0x1000, $0x38;
	[tilespmem:$0x3580] =	vst v63  }
0x26: {  	_ =	swait.ge @!p2 [sflag:s13], $0x1000  }
0x27: {  	s17 =	simm.s32 @!p1 $0x2;
	[sflag:s13] =	ssyncset.done @!p2 $0x0  }
0x28: {  	s18 =	simm.s32 @!p1 $0x0;
	s19 =	simm.s32 @!p1 $0x1080;
	[sflag:s13] =	ssyncadd.s32 @!p2 $0xFFFFF000  }
0x29: {  	[tilespmem:s19], [sflag:$0x2] =	stream.linear.gather @!p1 [hbm4b:s8+s18], $0x40, $0x38;
	[tilespmem:$0x3580] =	vst v63  }
0x2a: {  	_ =	swait.ge @!p1 [sflag:s17], $0x40  }
0x2b: {  	s20 =	simm.s32 @!p1 $0x1;
	[sflag:s17] =	ssyncset.done @!p1 $0x0  }
0x2c: {  	s22 =	simm.s32 @!p1 $0x40;
	s23 =	simm.s32 @!p1 $0x1100;
	[sflag:s17] =	ssyncadd.s32 @!p1 $0xFFFFFFC0  }
0x2d: {  	[tilespmem:s23], [sflag:$0x1] =	stream.indirect.gather @!p1 [hbm4b:s2+s22], $0x80, s19, s22, $0xb8;
	[tilespmem:$0x3580] =	vst v63  }
0x2e: {  	_ =	swait.ge @!p1 [sflag:s20], $0x2000  }
0x2f: {  	[sflag:s20] =	ssyncset.done @!p1 $0x0  }
0x30: {  	[sflag:s20] =	ssyncadd.s32 @!p1 $0xFFFFE000  }
0x31: {  	[hbm4b:s7+s18] =	stream.linear.scatter @!p1 [tilespmem:s23], [sflag:$0x2], $0x2000, $0x38;
	[tilespmem:$0x3580] =	vst v63  }
0x32: {  	_ =	swait.ge @!p1 [sflag:s17], $0x2000  }
0x33: {  	s21 =	simm.s32 @!p0 $0x2;
	[sflag:s17] =	ssyncset.done @!p1 $0x0  }
0x34: {  	s24 =	simm.s32 @!p0 $0x0;
	s25 =	simm.s32 @!p0 $0x3100;
	[sflag:s17] =	ssyncadd.s32 @!p1 $0xFFFFE000  }
0x35: {  	[tilespmem:s25], [sflag:$0x2] =	stream.linear.gather @!p0 [hbm4b:s6+s24], $0x8, $0x38;
	[tilespmem:$0x3580] =	vst v63  }
0x36: {  	_ =	swait.ge @!p0 [sflag:s21], $0x8  }
0x37: {  	s26 =	simm.s32 @!p0 $0x1;
	s28 =	simm.s32 @!p0 $0x8;
	[sflag:s21] =	ssyncset.done @!p0 $0x0  }
0x38: {  	s29 =	simm.s32 @!p0 $0x3180;
	s30 =	sadd.s32 $0xFFFFFFFF, s30;
	[sflag:s21] =	ssyncadd.s32 @!p0 $0xFFFFFFF8  }
0x39: {  	[tilespmem:s29], [sflag:$0x1] =	stream.indirect.gather @!p0 [hbm4b:s3+s28], $0x80, s25, s28, $0xb8;
	[tilespmem:$0x3580] =	vst v63  }
0x3a: {  	p4 =	sne.s32 s30, $0x0;
	_ =	swait.ge @!p0 [sflag:s26], $0x400  }
.Ltmp1:
0x3b: {  	[sflag:s26] =	ssyncset.done @!p0 $0x0;
	(pc) =	sbr.rel @!p4 .LBB2_3-.Ltmp1, $4  }
0x3c: {  	[sflag:s26] =	ssyncadd.s32 @!p0 $0xFFFFFC00  }
0x3d: {  	[hbm4b:s4+s24] =	stream.linear.scatter @!p0 [tilespmem:s29], [sflag:$0x2], $0x400, $0x38;
	[tilespmem:$0x3580] =	vst v63  }
0x3e: {  	_ =	swait.ge @!p0 [sflag:s21], $0x400  }
0x3f: {  	p3 =	por $0x1, $0x1;
	[sflag:s21] =	ssyncset.done @!p0 $0x0  }
.LBB2_2:
0x40: {  	[sflag:s21] =	ssyncadd.s32 @!p0 $0xFFFFFC00  }
0x41: {  	[tilespmem:s12], [sflag:$0x2] =	stream.linear.gather @!p2 [hbm4b:s11+s12], $0x8, $0x38;
	[tilespmem:$0x3580] =	vst v63  }
0x42: {  	s30 =	sadd.s32 $0xFFFFFFFF, s30;
	_ =	swait.ge @!p2 [sflag:s13], $0x8  }
0x43: {  	p4 =	sne.s32 s30, $0x0;
	[sflag:s13] =	ssyncset.done @!p2 $0x0  }
0x44: {  	[sflag:s13] =	ssyncadd.s32 @!p2 $0xFFFFFFF8  }
0x45: {  	v2 =	vld.msk @!p2 [tilespmem:$0x0], $0xff;
	_ =	sdelay $0x4  }
0x46: {  	v3 =	vshll.u32 @!p2 v2, $0x2  }
0x47: {  	v2 =	vand.u32 @!p2 $0x7, v2;
	v3 =	vand.u32 @!p2 $0xFFFFFFE0, v3  }
0x48: {  	v2 =	vor.u32 @!p2 v2, v3  }
0x49: {  	v2 =	vperm.xlane @!p2 v2, v0;
	_ =	sdelay $0x1  }
0x4a: {  	v2 =	vadd.s32 @!p2 v1, v2;
	_ =	sdelay $0x4  }
0x4b: {  	[tilespmem:s14], [sflag:$0x1] =	stream.indirect_vreg.gather @!p2 [hbm4b:s5+s12], $0x80, v2, vm0, $0xb8;
	[tilespmem:$0x3580] =	vst v63  }
0x4c: {  	_ = 	snop  }
0x4d: {  	[tilespmem:s15], [sflag:$0x1] =	stream.indirect_vreg.gather @!p2 [hbm4b:s10+s12], $0x80, v2, vm0, $0xb8;
	[tilespmem:$0x3580] =	vst v63  }
0x4e: {  	_ =	swait.ge @!p2 [sflag:s16], $0x1000  }
0x4f: {  	[sflag:s16] =	ssyncset.done @!p2 $0x0  }
0x50: {  	[sflag:s16] =	ssyncadd.s32 @!p2 $0xFFFFF000  }
0x51: {  	[hbm4b:s9+s12] =	stream.linear.scatter @!p2 [tilespmem:s14], [sflag:$0x2], $0x1000, $0x38;
	[tilespmem:$0x3580] =	vst v63  }
0x52: {  	_ =	swait.ge @!p2 [sflag:s13], $0x1000  }
0x53: {  	[sflag:s13] =	ssyncset.done @!p2 $0x0  }
0x54: {  	[sflag:s13] =	ssyncadd.s32 @!p2 $0xFFFFF000  }
0x55: {  	[tilespmem:s19], [sflag:$0x2] =	stream.linear.gather @!p1 [hbm4b:s8+s18], $0x40, $0x38;
	[tilespmem:$0x3580] =	vst v63  }
0x56: {  	_ =	swait.ge @!p1 [sflag:s17], $0x40  }
0x57: {  	[sflag:s17] =	ssyncset.done @!p1 $0x0  }
0x58: {  	[sflag:s17] =	ssyncadd.s32 @!p1 $0xFFFFFFC0  }
0x59: {  	[tilespmem:s23], [sflag:$0x1] =	stream.indirect.gather @!p1 [hbm4b:s2+s22], $0x80, s19, s22, $0xb8;
	[tilespmem:$0x3580] =	vst v63  }
0x5a: {  	_ =	swait.ge @!p1 [sflag:s20], $0x2000  }
0x5b: {  	[sflag:s20] =	ssyncset.done @!p1 $0x0  }
0x5c: {  	[sflag:s20] =	ssyncadd.s32 @!p1 $0xFFFFE000  }
0x5d: {  	[hbm4b:s7+s18] =	stream.linear.scatter @!p1 [tilespmem:s23], [sflag:$0x2], $0x2000, $0x38;
	[tilespmem:$0x3580] =	vst v63  }
0x5e: {  	_ =	swait.ge @!p1 [sflag:s17], $0x2000  }
0x5f: {  	[sflag:s17] =	ssyncset.done @!p1 $0x0  }
0x60: {  	[sflag:s17] =	ssyncadd.s32 @!p1 $0xFFFFE000  }
0x61: {  	[tilespmem:s25], [sflag:$0x2] =	stream.linear.gather @!p0 [hbm4b:s6+s24], $0x8, $0x38;
	[tilespmem:$0x3580] =	vst v63  }
0x62: {  	_ =	swait.ge @!p0 [sflag:s21], $0x8  }
0x63: {  	[sflag:s21] =	ssyncset.done @!p0 $0x0  }
0x64: {  	[sflag:s21] =	ssyncadd.s32 @!p0 $0xFFFFFFF8  }
0x65: {  	[tilespmem:s29], [sflag:$0x1] =	stream.indirect.gather @!p0 [hbm4b:s3+s28], $0x80, s25, s28, $0xb8;
	[tilespmem:$0x3580] =	vst v63  }
0x66: {  	_ =	swait.ge @!p0 [sflag:s26], $0x400  }
.Ltmp2:
0x67: {  	[sflag:s26] =	ssyncset.done @!p0 $0x0;
	(pc) =	sbr.rel @p4 .LBB2_2-.Ltmp2, $4  }
0x68: {  	[sflag:s26] =	ssyncadd.s32 @!p0 $0xFFFFFC00  }
0x69: {  	[hbm4b:s4+s24] =	stream.linear.scatter @!p0 [tilespmem:s29], [sflag:$0x2], $0x400, $0x38;
	[tilespmem:$0x3580] =	vst v63  }
0x6a: {  	_ =	swait.ge @!p0 [sflag:s21], $0x400  }
0x6b: {  	[sflag:s21] =	ssyncset.done @!p0 $0x0  }
.LBB2_3:
0x6c: {  	p3 =	por p0, !p3  }
0x6d: {  	s12 =	simm.s32 @!p2 $0x0;
	s13 =	simm.s32 @!p2 $0x2;
	[sflag:s21] =	ssyncadd.s32 @!p3 $0xFFFFFC00  }
0x6e: {  	[tilespmem:s12], [sflag:$0x2] =	stream.linear.gather @!p2 [hbm4b:s11+s12], $0x8, $0x38;
	[tilespmem:$0x3580] =	vst v63  }
0x6f: {  	_ =	swait.ge @!p2 [sflag:s13], $0x8  }
0x70: {  	[sflag:s13] =	ssyncset.done @!p2 $0x0  }
0x71: {  	[sflag:s13] =	ssyncadd.s32 @!p2 $0xFFFFFFF8  }
0x72: {  	v0 =	vld.msk @!p2 [tilespmem:$0x0], $0xff;
	_ =	sdelay $0x4  }
0x73: {  	v1 =	vshll.u32 @!p2 v0, $0x2  }
0x74: {  	v2 =	vlaneseq.u32 @!p2;
	v0 =	vand.u32 @!p2 $0x7, v0;
	v1 =	vand.u32 @!p2 $0xFFFFFFE0, v1  }
0x75: {  	v0 =	vor.u32 @!p2 v0, v1;
	v1 =	vand.u32 @!p2 $0x7, v2;
	v2 =	vshrl.u32 @!p2 v2, $0x3  }
0x76: {  	v0 =	vperm.xlane @!p2 v0, v1;
	v1 =	vmul.u32 @!p2 $0x8, v2;
	_ =	sdelay $0x1  }
0x77: {  	v0 =	vadd.s32 @!p2 v1, v0;
	_ =	sdelay $0x3  }
0x78: {  	s11 =	simm.s32 @!p2 $0x80  }
0x79: {  	[tilespmem:s11], [sflag:$0x1] =	stream.indirect_vreg.gather @!p2 [hbm4b:s5+s12], $0x80, v0, vm0, $0xb8;
	[tilespmem:$0x3580] =	vst v63  }
0x7a: {  	s14 =	simm.s32 @!p2 $0x1;
	s5 =	simm.s32 @!p2 $0x880  }
0x7b: {  	[tilespmem:s5], [sflag:$0x1] =	stream.indirect_vreg.gather @!p2 [hbm4b:s10+s12], $0x80, v0, vm0, $0xb8;
	[tilespmem:$0x3580] =	vst v63  }
0x7c: {  	_ =	swait.ge @!p2 [sflag:s14], $0x1000  }
0x7d: {  	[sflag:s14] =	ssyncset.done @!p2 $0x0  }
0x7e: {  	[sflag:s14] =	ssyncadd.s32 @!p2 $0xFFFFF000  }
0x7f: {  	[hbm4b:s9+s12] =	stream.linear.scatter @!p2 [tilespmem:s11], [sflag:$0x2], $0x1000, $0x38;
	[tilespmem:$0x3580] =	vst v63  }
0x80: {  	_ =	swait.ge @!p2 [sflag:s13], $0x1000  }
0x81: {  	s5 =	simm.s32 @!p1 $0x2;
	[sflag:s13] =	ssyncset.done @!p2 $0x0  }
0x82: {  	s10 =	simm.s32 @!p1 $0x1080;
	s9 =	simm.s32 @!p1 $0x0;
	[sflag:s13] =	ssyncadd.s32 @!p2 $0xFFFFF000  }
0x83: {  	[tilespmem:s10], [sflag:$0x2] =	stream.linear.gather @!p1 [hbm4b:s8+s9], $0x40, $0x38;
	[tilespmem:$0x3580] =	vst v63  }
0x84: {  	_ =	swait.ge @!p1 [sflag:s5], $0x40  }
0x85: {  	s11 =	simm.s32 @!p1 $0x40;
	[sflag:s5] =	ssyncset.done @!p1 $0x0  }
0x86: {  	s12 =	simm.s32 @!p1 $0x1100;
	s8 =	simm.s32 @!p1 $0x1;
	[sflag:s5] =	ssyncadd.s32 @!p1 $0xFFFFFFC0  }
0x87: {  	[tilespmem:s12], [sflag:$0x1] =	stream.indirect.gather @!p1 [hbm4b:s2+s11], $0x80, s10, s11, $0xb8;
	[tilespmem:$0x3580] =	vst v63  }
0x88: {  	_ =	swait.ge @!p1 [sflag:s8], $0x2000  }
0x89: {  	[sflag:s8] =	ssyncset.done @!p1 $0x0  }
0x8a: {  	[sflag:s8] =	ssyncadd.s32 @!p1 $0xFFFFE000  }
0x8b: {  	[hbm4b:s7+s9] =	stream.linear.scatter @!p1 [tilespmem:s12], [sflag:$0x2], $0x2000, $0x38;
	[tilespmem:$0x3580] =	vst v63  }
0x8c: {  	_ =	swait.ge @!p1 [sflag:s5], $0x2000  }
0x8d: {  	s2 =	simm.s32 @!p0 $0x2;
	[sflag:s5] =	ssyncset.done @!p1 $0x0  }
0x8e: {  	s7 =	simm.s32 @!p0 $0x3100;
	[sflag:s5] =	ssyncadd.s32 @!p1 $0xFFFFE000;
	s5 =	simm.s32 @!p0 $0x0  }
0x8f: {  	[tilespmem:s7], [sflag:$0x2] =	stream.linear.gather @!p0 [hbm4b:s6+s5], $0x8, $0x38;
	[tilespmem:$0x3580] =	vst v63  }
0x90: {  	_ =	swait.ge @!p0 [sflag:s2], $0x8  }
0x91: {  	s8 =	simm.s32 @!p0 $0x8;
	[sflag:s2] =	ssyncset.done @!p0 $0x0  }
0x92: {  	s9 =	simm.s32 @!p0 $0x3180;
	s6 =	simm.s32 @!p0 $0x1;
	[sflag:s2] =	ssyncadd.s32 @!p0 $0xFFFFFFF8  }
0x93: {  	[tilespmem:s9], [sflag:$0x1] =	stream.indirect.gather @!p0 [hbm4b:s3+s8], $0x80, s7, s8, $0xb8;
	[tilespmem:$0x3580] =	vst v63  }
0x94: {  	_ =	swait.ge @!p0 [sflag:s6], $0x400  }
0x95: {  	[sflag:s6] =	ssyncset.done @!p0 $0x0  }
0x96: {  	[sflag:s6] =	ssyncadd.s32 @!p0 $0xFFFFFC00  }
0x97: {  	[hbm4b:s4+s5] =	stream.linear.scatter @!p0 [tilespmem:s9], [sflag:$0x2], $0x400, $0x38;
	[tilespmem:$0x3580] =	vst v63  }
0x98: {  	_ =	swait.ge @!p0 [sflag:s2], $0x400  }
0x99: {  	[sflag:s2] =	ssyncset.done @!p0 $0x0  }
0x9a: {  	[sflag:s2] =	ssyncadd.s32 @!p0 $0xFFFFFC00  }
0x9b: {  	_ =	sfence.sel $0x180000  }
0x9c: {  	[bflag:$0x0] =	sbarrier.arrive $0xFFFF  }
0x9d: {  	p0 =	sne.s32 s0, $0x0;
	_ =	strace $0x90000047  }
0x9e: {  	s0 =	sadd.s32 @!p0 $0x100000, s1;
	[bflag:$0x2] =	sbarrier.arrive $0xFFFF  }
0x9f: {  	[sflag:s0] =	ssyncadd.tile.s32 @!p0 $0x1;
	_ =	shalt  }
.Lfunc_end2:
_tile_overlayer_lowered:
.L_overlay_start_2:
0xa0: {  	(tag) =	ssettag $0x2  }
0xa1: {  	s0 =	rddreg [dreg:$0x0];
	s2 =	stileid.u32  }
0xa2: {  	s1 =	rddreg [dreg:$0x1];
	p0 =	sne.s32 s2, $0x0  }
0xa3: {  	s3 =	rddreg [dreg:$0x2];
	[bflag:$0x3] =	sbarrier.arrive $0xFFFF;
	s2 =	simm.s32 @!p0 $0x1C02  }
0xa4: {  	[timem:s3], [sflag:s2] =	dma.local @!p0 [hbm:s0], s1  }
0xa5: {  	s0 =	simm.s32 @!p0 $0x2  }
0xa6: {  	_ =	swait.ge @!p0 [sflag:s0], s1  }
0xa7: {  	s1 =	ssub.s32 @!p0 $0x0, s1;
	[sflag:s0] =	ssyncset.done @!p0 $0x0  }
0xa8: {  	[sflag:s0] =	ssyncadd.s32 @!p0 s1  }
0xa9: {  	[bflag:$0x3] =	sbarrier.arrive $0xFFFF  }
0xaa: {  	_ =	shalt  }

</sc_bundles>
